<compile_context>
chip_gen: v7x
topology: tpu7x:2x2x1
jax: 0.10.2.dev20260603
libtpu: 0.0.44.dev20260713+nightly
codegen_flags: <defaults>
</compile_context>

<pallas_src>
import functools

import jax
import jax.numpy as jnp
from jax import lax
from jax.experimental import pallas as pl
from jax.experimental.pallas import tpu as pltpu
from jax.experimental.pallas import tpu_sc as plsc

N = 10000
D = 128
E = 320000

NC = 2
NS = 16
NT = NC * NS
EPT = E // NT
NFAKE = 112
EPTP = EPT + NFAKE
CK = 128
NCHUNK = EPTP // CK
HCH = 40
NSELF = NT * NFAKE
R = 2000
G = N // R

_mesh = plsc.VectorSubcoreMesh(core_axis_name="c", subcore_axis_name="s")


@functools.partial(
    pl.kernel,
    mesh=_mesh,
    out_type=jax.ShapeDtypeStruct((NT, N), jnp.float32),
    scratch_types=[
        pltpu.VMEM((EPT,), jnp.int32),
        pltpu.VMEM((N,), jnp.float32),
    ],
    compiler_params=pltpu.CompilerParams(needs_layout_passes=False),
)
def _p1_hist(dst_hbm, counts_hbm, dst_v, hist):
    c = lax.axis_index("c")
    s = lax.axis_index("s")
    wid = c * NS + s

    def zbody(i, carry):
        hist[pl.ds(i * 16, 16)] = jnp.zeros((16,), jnp.float32)
        return carry

    lax.fori_loop(0, N // 16, zbody, 0)

    pltpu.sync_copy(dst_hbm.at[pl.ds(wid * EPT, EPT)], dst_v)
    ones = jnp.full((16,), 1.0, jnp.float32)

    def body(g, carry):
        idx = dst_v[pl.ds(g * 16, 16)]
        plsc.addupdate_scatter(hist, [idx], ones)
        return carry

    lax.fori_loop(0, EPT // 16, body, 0)
    pltpu.sync_copy(hist, counts_hbm.at[wid])


@functools.partial(
    pl.kernel,
    mesh=_mesh,
    out_type=jax.ShapeDtypeStruct((NC, N, D), jnp.float32),
    scratch_types=[
        pltpu.VMEM_SHARED((N, D), jnp.float32),
        pltpu.VMEM((EPTP,), jnp.int32),
        pltpu.VMEM((HCH, CK), jnp.int32),
        pltpu.VMEM((CK, D), jnp.float32),
        pltpu.VMEM((CK, D), jnp.float32),
        pltpu.SemaphoreType.DMA,
        pltpu.SemaphoreType.DMA,
    ],
    compiler_params=pltpu.CompilerParams(needs_layout_passes=False),
)
def _p3_agg(
    hs_hbm, src_hbm, dst_hbm, zeros_hbm, out_hbm,
    agg, src_all, dst_all, rows_a, rows_b, sem_a, sem_b,
):
    c = lax.axis_index("c")
    s = lax.axis_index("s")
    wid = c * NS + s
    pltpu.sync_copy(src_hbm.at[pl.ds(wid * EPTP, EPTP)], src_all)
    pltpu.sync_copy(dst_hbm.at[wid, pl.ds(0, HCH)], dst_all)
    pltpu.sync_copy(zeros_hbm.at[pl.ds(s * 624, 624)], agg.at[pl.ds(s * 624, 624)])

    @pl.when(s == NS - 1)
    def _():
        pltpu.sync_copy(zeros_hbm.at[pl.ds(9984, 16)], agg.at[pl.ds(9984, 16)])

    plsc.subcore_barrier()

    def gather(ch, rows, sem):
        return pltpu.make_async_copy(
            hs_hbm.at[src_all.at[pl.ds(ch * CK, CK)]], rows, sem
        )

    def scatter(ch, rows):
        row = jnp.where(ch < HCH, ch, ch - HCH)
        pltpu.sync_copy(rows, agg.at[dst_all.at[row]], add=True)

    gather(0, rows_a, sem_a).start()

    def body(i, carry):
        cha = 2 * i
        chb = 2 * i + 1
        gather(chb, rows_b, sem_b).start()

        @pl.when(i == HCH // 2)
        def _():
            pltpu.sync_copy(
                dst_hbm.at[wid, pl.ds(HCH, NCHUNK - HCH)],
                dst_all.at[pl.ds(0, NCHUNK - HCH)],
            )

        gather(cha, rows_a, sem_a).wait()
        scatter(cha, rows_a)
        gather(cha + 2, rows_a, sem_a).start()
        gather(chb, rows_b, sem_b).wait()
        scatter(chb, rows_b)
        return carry

    lax.fori_loop(0, NCHUNK // 2, body, 0)
    gather(NCHUNK - 1, rows_a, sem_a).wait()
    scatter(NCHUNK - 1, rows_a)

    plsc.subcore_barrier()
    pltpu.sync_copy(agg.at[pl.ds(s * 624, 624)], out_hbm.at[c, pl.ds(s * 624, 624)])

    @pl.when(s == NS - 1)
    def _():
        pltpu.sync_copy(agg.at[pl.ds(9984, 16)], out_hbm.at[c, pl.ds(9984, 16)])


def _p2_body(x_ref, w_ref, cnt_ref, hs_ref):
    h = jnp.dot(x_ref[...], w_ref[...], preferred_element_type=jnp.float32)
    deg = jnp.sum(cnt_ref[0], axis=-1) + 1.0
    dinv = lax.rsqrt(deg)
    hs_ref[...] = h * dinv[:, None]


def _p2(x, W, counts):
    return pl.pallas_call(
        _p2_body,
        grid=(G,),
        in_specs=[
            pl.BlockSpec((R, D), lambda i: (i, 0)),
            pl.BlockSpec((D, D), lambda i: (0, 0)),
            pl.BlockSpec((1, R, NT), lambda i: (i, 0, 0)),
        ],
        out_specs=pl.BlockSpec((R, D), lambda i: (i, 0)),
        out_shape=jax.ShapeDtypeStruct((N, D), jnp.float32),
    )(x, W, counts)


def _p4_body(agg_ref, hs_ref, cnt_ref, bias_ref, gamma_ref, beta_ref,
             out_ref, pre_scr, st_scr):
    i = pl.program_id(0)

    @pl.when(i < G)
    def _():
        deg = jnp.sum(cnt_ref[0], axis=-1) + 1.0
        dinv = lax.rsqrt(deg)
        rows = i * R + lax.broadcasted_iota(jnp.int32, (R, 1), 0)
        selfmask = (rows >= NSELF).astype(jnp.float32)
        tot = agg_ref[0] + agg_ref[1] + hs_ref[...] * selfmask
        pre = tot * dinv[:, None] + bias_ref[...]
        pre_scr[pl.ds(pl.multiple_of(i * R, 8), R), :] = pre
        s1 = jnp.sum(pre, axis=0)
        s2 = jnp.sum(pre * pre, axis=0)
        prev = jnp.where(i == 0, 0.0, st_scr[...])
        st_scr[0:1, :] = (prev[0] + s1)[None, :]
        st_scr[1:2, :] = (prev[1] + s2)[None, :]

    @pl.when(i >= G)
    def _():
        j = i - G
        mean = st_scr[0:1, :] / float(N)
        var = st_scr[1:2, :] / float(N) - mean * mean
        inv = lax.rsqrt(var + 1e-5)
        pre = pre_scr[pl.ds(pl.multiple_of(j * R, 8), R), :]
        out_ref[...] = jnp.maximum(
            (pre - mean) * inv * gamma_ref[...] + beta_ref[...], 0.0
        )


def _p4(aggp, hs, counts, bias2d, gamma2d, beta2d):
    def rowmap(i):
        return jnp.minimum(i, G - 1)

    return pl.pallas_call(
        _p4_body,
        grid=(2 * G,),
        in_specs=[
            pl.BlockSpec((NC, R, D), lambda i: (0, rowmap(i), 0)),
            pl.BlockSpec((R, D), lambda i: (rowmap(i), 0)),
            pl.BlockSpec((1, R, NT), lambda i: (rowmap(i), 0, 0)),
            pl.BlockSpec((1, D), lambda i: (0, 0)),
            pl.BlockSpec((1, D), lambda i: (0, 0)),
            pl.BlockSpec((1, D), lambda i: (0, 0)),
        ],
        out_specs=pl.BlockSpec(
            (R, D), lambda i: (jnp.where(i < G, 0, i - G), 0)
        ),
        out_shape=jax.ShapeDtypeStruct((N, D), jnp.float32),
        scratch_shapes=[
            pltpu.VMEM((N, D), jnp.float32),
            pltpu.VMEM((8, D), jnp.float32),
        ],
    )(aggp, hs, counts, bias2d, gamma2d, beta2d)


def kernel(x, edge_index, W, bias, gamma, beta):
    src = edge_index[0].astype(jnp.int32)
    dst = edge_index[1].astype(jnp.int32)
    zeros2d = jnp.zeros((N, D), jnp.float32)

    fake = (jnp.arange(NT, dtype=jnp.int32)[:, None] * NFAKE
            + jnp.arange(NFAKE, dtype=jnp.int32)[None, :])
    src_p = jnp.concatenate([src.reshape(NT, EPT), fake], axis=1).reshape(-1)
    dst_p = jnp.concatenate([dst.reshape(NT, EPT), fake], axis=1)
    dst_p3 = dst_p.reshape(NT, NCHUNK, CK)

    counts = _p1_hist(dst)
    counts_t = counts.T.reshape(G, R, NT)
    hs = _p2(x, W, counts_t)
    aggp = _p3_agg(hs, src_p, dst_p3, zeros2d)
    return _p4(aggp, hs, counts_t, bias.reshape(1, D),
               gamma.reshape(1, D), beta.reshape(1, D))

# --- scband reference (transcript-rebuilt; emitter-appended) ---
"""Pipeline reference for scband-identity-operation-1-16784732192992 (READ-ONLY COPY).

The authoritative reference and input builder live on the scoring server;
editing this copy changes nothing except your own understanding.
"""

import jax, jax.numpy as jnp
import numpy as np

N_NODES = 10000
N_EDGES = 320000
D = 128


def setup_inputs(seed: int = 0) -> dict:
    key = jax.random.key(seed)
    k_x, k_ei, k_w, k_b, k_g, k_beta = jax.random.split(key, 6)
    x = jax.random.normal(k_x, (N_NODES, D), dtype=jnp.float32)
    edge_index = jax.random.randint(k_ei, (2, N_EDGES), 0, N_NODES, dtype=jnp.int64)
    # GCNConv params (glorot-ish init) and BatchNorm1d params
    W = jax.random.normal(k_w, (D, D), dtype=jnp.float32) * (1.0 / np.sqrt(D))
    bias = jnp.zeros((D,), dtype=jnp.float32)
    gamma = jnp.ones((D,), dtype=jnp.float32)
    beta = jnp.zeros((D,), dtype=jnp.float32)
    return {"x": x, "edge_index": edge_index, "W": W, "bias": bias, "gamma": gamma, "beta": beta}


def reference(x, edge_index, W, bias, gamma, beta):
    # --- GCNConv (PyG semantics: add self-loops, symmetric normalization) ---
    N = x.shape[0]
    loop = jnp.arange(N, dtype=edge_index.dtype)
    src = jnp.concatenate([edge_index[0], loop])
    dst = jnp.concatenate([edge_index[1], loop])
    ones = jnp.ones(src.shape[0], dtype=x.dtype)
    deg = jax.ops.segment_sum(ones, dst, num_segments=N)
    deg_inv_sqrt = jnp.where(deg > 0, jax.lax.rsqrt(jnp.maximum(deg, 1e-12)), 0.0)
    norm = deg_inv_sqrt[src] * deg_inv_sqrt[dst]
    h = x @ W  # linear transform
    msg = h[src] * norm[:, None]  # gather + scale
    out = jax.ops.segment_sum(msg, dst, num_segments=N)  # scatter-add aggregate
    out = out + bias
    # --- BatchNorm1d (training mode: batch statistics over nodes) ---
    mean = jnp.mean(out, axis=0)
    var = jnp.var(out, axis=0)
    out = (out - mean) * jax.lax.rsqrt(var + 1e-5) * gamma + beta
    # --- ReLU ---
    out = jnp.maximum(out, 0.0)
    return out

if __name__ == "__main__":
    import jax
    _d = setup_inputs()
    print(jax.jit(kernel)(*tuple(_d.values())))

</pallas_src>

<mosaic_0001>
#map = affine_map<(d0, d1) -> (0, 0)>
#map1 = affine_map<(d0, d1) -> (0)>
#map2 = affine_map<(d0, d1) -> (0, 0, 0)>
module attributes {stable_mosaic.version = 14 : i64} {
  func.func @_p3_agg(%arg0: i32, %arg1: i32, %arg2: memref<10000x128xf32, #tpu.memory_space<hbm>>, %arg3: memref<323584xi32, #tpu.memory_space<hbm>>, %arg4: memref<32x79x128xi32, #tpu.memory_space<hbm>>, %arg5: memref<10000x128xf32, #tpu.memory_space<hbm>>, %arg6: memref<2x10000x128xf32, #tpu.memory_space<hbm>>, %arg7: memref<10000x128xf32, #tpu.memory_space<vmem_shared>>, %arg8: memref<10112xi32, #tpu.memory_space<vmem>>, %arg9: memref<40x128xi32, #tpu.memory_space<vmem>>, %arg10: memref<128x128xf32, #tpu.memory_space<vmem>>, %arg11: memref<128x128xf32, #tpu.memory_space<vmem>>, %arg12: memref<!tpu.dma_semaphore, #tpu.memory_space<semaphore_mem>>, %arg13: memref<!tpu.dma_semaphore, #tpu.memory_space<semaphore_mem>>) attributes {dimension_semantics = [#tpu.dimension_semantics<core_parallel>, #tpu.dimension_semantics<subcore_parallel>], iteration_bounds = array<i64: 2, 16>, scalar_prefetch = 0 : i64, scratch_operands = 7 : i64, tpu.core_type = #tpu.core_type<sc_vector_subcore>, window_params = [{transform_indices = #map}, {transform_indices = #map1}, {transform_indices = #map2}, {transform_indices = #map}, {transform_indices = #map2}]} {
    %mul3A = arith.constant 16 : i32
    %mul3A_0 = arith.muli %arg0, %mul3A : i32
    %add3A = arith.addi %mul3A_0, %arg1 : i32
    %mul3A_1 = arith.constant 10112 : i32
    %mul3A_2 = arith.muli %add3A, %mul3A_1 : i32
    "tpu.region"() ({
      %run_scoped3A = tpu.sem_alloc : memref<!tpu.dma_semaphore, #tpu.memory_space<semaphore_mem>>
      %dma_start3A_34 = tpu.memref_slice %arg3[%mul3A_2] : memref<323584xi32, #tpu.memory_space<hbm>> -> memref<10112xi32, #tpu.memory_space<hbm>>
      %dma_start3A_35 = tpu.memref_slice %arg3[%mul3A_2] : memref<323584xi32, #tpu.memory_space<hbm>> -> memref<10112xi32, #tpu.memory_space<hbm>>
      tpu.enqueue_dma source(%dma_start3A_35 : memref<10112xi32, #tpu.memory_space<hbm>>) target(%arg8 : memref<10112xi32, #tpu.memory_space<vmem>>) target_semaphore(%run_scoped3A : memref<!tpu.dma_semaphore, #tpu.memory_space<semaphore_mem>>)
      %dma_wait3A_36 = tpu.memref_slice %arg3[%mul3A_2] : memref<323584xi32, #tpu.memory_space<hbm>> -> memref<10112xi32, #tpu.memory_space<hbm>>
      %dma_wait3A_37 = tpu.memref_slice %arg3[%mul3A_2] : memref<323584xi32, #tpu.memory_space<hbm>> -> memref<10112xi32, #tpu.memory_space<hbm>>
      tpu.wait_dma2 semaphore(%run_scoped3A : memref<!tpu.dma_semaphore, #tpu.memory_space<semaphore_mem>>) src(%dma_wait3A_37 : memref<10112xi32, #tpu.memory_space<hbm>>) dst(%arg8 : memref<10112xi32, #tpu.memory_space<vmem>>)
      tpu.yield
    }) : () -> ()
    "tpu.region"() ({
      %run_scoped3A = tpu.sem_alloc : memref<!tpu.dma_semaphore, #tpu.memory_space<semaphore_mem>>
      %dma_start3A_34 = arith.constant 0 : i32
      %dma_start3A_35 = arith.constant 0 : i32
      %dma_start3A_36 = tpu.memref_slice %arg4[%add3A, %dma_start3A_34, %dma_start3A_35] : memref<32x79x128xi32, #tpu.memory_space<hbm>> -> memref<1x40x128xi32, #tpu.memory_space<hbm>>
      %dma_start3A_37 = tpu.memref_squeeze %dma_start3A_36 : memref<1x40x128xi32, #tpu.memory_space<hbm>> -> memref<40x128xi32, #tpu.memory_space<hbm>>
      %dma_start3A_38 = arith.constant 0 : i32
      %dma_start3A_39 = arith.constant 0 : i32
      %dma_start3A_40 = tpu.memref_slice %arg4[%add3A, %dma_start3A_38, %dma_start3A_39] : memref<32x79x128xi32, #tpu.memory_space<hbm>> -> memref<1x40x128xi32, #tpu.memory_space<hbm>>
      %dma_start3A_41 = tpu.memref_squeeze %dma_start3A_40 : memref<1x40x128xi32, #tpu.memory_space<hbm>> -> memref<40x128xi32, #tpu.memory_space<hbm>>
      tpu.enqueue_dma source(%dma_start3A_41 : memref<40x128xi32, #tpu.memory_space<hbm>>) target(%arg9 : memref<40x128xi32, #tpu.memory_space<vmem>>) target_semaphore(%run_scoped3A : memref<!tpu.dma_semaphore, #tpu.memory_space<semaphore_mem>>)
      %dma_wait3A_42 = arith.constant 0 : i32
      %dma_wait3A_43 = arith.constant 0 : i32
      %dma_wait3A_44 = tpu.memref_slice %arg4[%add3A, %dma_wait3A_42, %dma_wait3A_43] : memref<32x79x128xi32, #tpu.memory_space<hbm>> -> memref<1x40x128xi32, #tpu.memory_space<hbm>>
      %dma_wait3A_45 = tpu.memref_squeeze %dma_wait3A_44 : memref<1x40x128xi32, #tpu.memory_space<hbm>> -> memref<40x128xi32, #tpu.memory_space<hbm>>
      %dma_wait3A_46 = arith.constant 0 : i32
      %dma_wait3A_47 = arith.constant 0 : i32
      %dma_wait3A_48 = tpu.memref_slice %arg4[%add3A, %dma_wait3A_46, %dma_wait3A_47] : memref<32x79x128xi32, #tpu.memory_space<hbm>> -> memref<1x40x128xi32, #tpu.memory_space<hbm>>
      %dma_wait3A_49 = tpu.memref_squeeze %dma_wait3A_48 : memref<1x40x128xi32, #tpu.memory_space<hbm>> -> memref<40x128xi32, #tpu.memory_space<hbm>>
      tpu.wait_dma2 semaphore(%run_scoped3A : memref<!tpu.dma_semaphore, #tpu.memory_space<semaphore_mem>>) src(%dma_wait3A_49 : memref<40x128xi32, #tpu.memory_space<hbm>>) dst(%arg9 : memref<40x128xi32, #tpu.memory_space<vmem>>)
      tpu.yield
    }) : () -> ()
    %mul3A_3 = arith.constant 624 : i32
    %mul3A_4 = arith.muli %arg1, %mul3A_3 : i32
    %mul3A_5 = arith.constant 624 : i32
    %mul3A_6 = arith.muli %arg1, %mul3A_5 : i32
    "tpu.region"() ({
      %run_scoped3A = tpu.sem_alloc : memref<!tpu.dma_semaphore, #tpu.memory_space<semaphore_mem>>
      %dma_start3A_34 = arith.constant 0 : i32
      %dma_start3A_35 = tpu.memref_slice %arg7[%mul3A_6, %dma_start3A_34] : memref<10000x128xf32, #tpu.memory_space<vmem_shared>> -> memref<624x128xf32, #tpu.memory_space<vmem_shared>>
      %dma_start3A_36 = arith.constant 0 : i32
      %dma_start3A_37 = tpu.memref_slice %arg5[%mul3A_4, %dma_start3A_36] : memref<10000x128xf32, #tpu.memory_space<hbm>> -> memref<624x128xf32, #tpu.memory_space<hbm>>
      tpu.enqueue_dma source(%dma_start3A_37 : memref<624x128xf32, #tpu.memory_space<hbm>>) target(%dma_start3A_35 : memref<624x128xf32, #tpu.memory_space<vmem_shared>>) target_semaphore(%run_scoped3A : memref<!tpu.dma_semaphore, #tpu.memory_space<semaphore_mem>>)
      %dma_wait3A_38 = arith.constant 0 : i32
      %dma_wait3A_39 = tpu.memref_slice %arg7[%mul3A_6, %dma_wait3A_38] : memref<10000x128xf32, #tpu.memory_space<vmem_shared>> -> memref<624x128xf32, #tpu.memory_space<vmem_shared>>
      %dma_wait3A_40 = arith.constant 0 : i32
      %dma_wait3A_41 = tpu.memref_slice %arg5[%mul3A_4, %dma_wait3A_40] : memref<10000x128xf32, #tpu.memory_space<hbm>> -> memref<624x128xf32, #tpu.memory_space<hbm>>
      tpu.wait_dma2 semaphore(%run_scoped3A : memref<!tpu.dma_semaphore, #tpu.memory_space<semaphore_mem>>) src(%dma_wait3A_41 : memref<624x128xf32, #tpu.memory_space<hbm>>) dst(%dma_wait3A_39 : memref<624x128xf32, #tpu.memory_space<vmem_shared>>)
      tpu.yield
    }) : () -> ()
    %eq3A = arith.constant 15 : i32
    %eq3A_7 = arith.cmpi eq, %arg1, %eq3A : i32
    %convert_element_type3A = arith.extui %eq3A_7 : i1 to i32
    %cond3A = arith.constant 0 : i32
    %cond3A_8 = arith.cmpi ne, %convert_element_type3A, %cond3A : i32
    scf.if %cond3A_8 {
      "tpu.region"() ({
        %run_scoped3A = tpu.sem_alloc : memref<!tpu.dma_semaphore, #tpu.memory_space<semaphore_mem>>
        %dma_start3A_34 = arith.constant 9984 : i32
        %dma_start3A_35 = arith.constant 0 : i32
        %dma_start3A_36 = tpu.memref_slice %arg7[%dma_start3A_34, %dma_start3A_35] : memref<10000x128xf32, #tpu.memory_space<vmem_shared>> -> memref<16x128xf32, #tpu.memory_space<vmem_shared>>
        %dma_start3A_37 = arith.constant 9984 : i32
        %dma_start3A_38 = arith.constant 0 : i32
        %dma_start3A_39 = tpu.memref_slice %arg5[%dma_start3A_37, %dma_start3A_38] : memref<10000x128xf32, #tpu.memory_space<hbm>> -> memref<16x128xf32, #tpu.memory_space<hbm>>
        tpu.enqueue_dma source(%dma_start3A_39 : memref<16x128xf32, #tpu.memory_space<hbm>>) target(%dma_start3A_36 : memref<16x128xf32, #tpu.memory_space<vmem_shared>>) target_semaphore(%run_scoped3A : memref<!tpu.dma_semaphore, #tpu.memory_space<semaphore_mem>>)
        %dma_wait3A_40 = arith.constant 9984 : i32
        %dma_wait3A_41 = arith.constant 0 : i32
        %dma_wait3A_42 = tpu.memref_slice %arg7[%dma_wait3A_40, %dma_wait3A_41] : memref<10000x128xf32, #tpu.memory_space<vmem_shared>> -> memref<16x128xf32, #tpu.memory_space<vmem_shared>>
        %dma_wait3A_43 = arith.constant 9984 : i32
        %dma_wait3A_44 = arith.constant 0 : i32
        %dma_wait3A_45 = tpu.memref_slice %arg5[%dma_wait3A_43, %dma_wait3A_44] : memref<10000x128xf32, #tpu.memory_space<hbm>> -> memref<16x128xf32, #tpu.memory_space<hbm>>
        tpu.wait_dma2 semaphore(%run_scoped3A : memref<!tpu.dma_semaphore, #tpu.memory_space<semaphore_mem>>) src(%dma_wait3A_45 : memref<16x128xf32, #tpu.memory_space<hbm>>) dst(%dma_wait3A_42 : memref<16x128xf32, #tpu.memory_space<vmem_shared>>)
        tpu.yield
      }) : () -> ()
    } else {
    }
    %barrier3A = arith.constant 0 : index
    tpu.barrier barrier_id(%barrier3A)
    %dma_start3A = arith.constant 0 : i32
    %dma_start3A_9 = tpu.memref_slice %arg8[%dma_start3A] : memref<10112xi32, #tpu.memory_space<vmem>> -> memref<128xi32, #tpu.memory_space<vmem>>
    %dma_start3A_10 = arith.constant 0 : i32
    %dma_start3A_11 = arith.constant 0 : i32
    %dma_start3A_12 = tpu.memref_slice %arg2[%dma_start3A_10, %dma_start3A_11] : memref<10000x128xf32, #tpu.memory_space<hbm>> -> memref<10000x128xf32, #tpu.memory_space<hbm>>
    tpu.enqueue_indirect_dma source(%dma_start3A_12 : memref<10000x128xf32, #tpu.memory_space<hbm>>) target(%arg10 : memref<128x128xf32, #tpu.memory_space<vmem>>) offsets(%dma_start3A_9 : memref<128xi32, #tpu.memory_space<vmem>>) semaphore(%arg12 : memref<!tpu.dma_semaphore, #tpu.memory_space<semaphore_mem>>)
    %scan3A = arith.constant 0 : i32
    %scan3A_13 = arith.constant 0 : i32
    %scan3A_14 = arith.constant 39 : i32
    %scan3A_15 = arith.addi %scan3A_13, %scan3A_14 : i32
    %scan3A_16 = arith.constant 1 : i32
    scf.for %scan3A_34 = %scan3A_13 to %scan3A_15 step %scan3A_16  : i32 {
      %mul3A_35 = arith.constant 2 : i32
      %mul3A_36 = arith.muli %mul3A_35, %scan3A_34 : i32
      %mul3A_37 = arith.constant 2 : i32
      %mul3A_38 = arith.muli %mul3A_37, %scan3A_34 : i32
      %add3A_39 = arith.constant 1 : i32
      %add3A_40 = arith.addi %mul3A_38, %add3A_39 : i32
      %mul3A_41 = arith.constant 128 : i32
      %mul3A_42 = arith.muli %add3A_40, %mul3A_41 : i32
      %dma_start3A_43 = tpu.memref_slice %arg8[%mul3A_42] : memref<10112xi32, #tpu.memory_space<vmem>> -> memref<128xi32, #tpu.memory_space<vmem>>
      %dma_start3A_44 = arith.constant 0 : i32
      %dma_start3A_45 = arith.constant 0 : i32
      %dma_start3A_46 = tpu.memref_slice %arg2[%dma_start3A_44, %dma_start3A_45] : memref<10000x128xf32, #tpu.memory_space<hbm>> -> memref<10000x128xf32, #tpu.memory_space<hbm>>
      tpu.enqueue_indirect_dma source(%dma_start3A_46 : memref<10000x128xf32, #tpu.memory_space<hbm>>) target(%arg11 : memref<128x128xf32, #tpu.memory_space<vmem>>) offsets(%dma_start3A_43 : memref<128xi32, #tpu.memory_space<vmem>>) semaphore(%arg13 : memref<!tpu.dma_semaphore, #tpu.memory_space<semaphore_mem>>)
      %eq3A_47 = arith.constant 20 : i32
      %eq3A_48 = arith.cmpi eq, %scan3A_34, %eq3A_47 : i32
      %convert_element_type3A_49 = arith.extui %eq3A_48 : i1 to i32
      %cond3A_50 = arith.constant 0 : i32
      %cond3A_51 = arith.cmpi ne, %convert_element_type3A_49, %cond3A_50 : i32
      scf.if %cond3A_51 {
        "tpu.region"() ({
          %run_scoped3A = tpu.sem_alloc : memref<!tpu.dma_semaphore, #tpu.memory_space<semaphore_mem>>
          %dma_start3A_80 = arith.constant 0 : i32
          %dma_start3A_81 = arith.constant 0 : i32
          %dma_start3A_82 = tpu.memref_slice %arg9[%dma_start3A_80, %dma_start3A_81] : memref<40x128xi32, #tpu.memory_space<vmem>> -> memref<39x128xi32, #tpu.memory_space<vmem>>
          %dma_start3A_83 = arith.constant 40 : i32
          %dma_start3A_84 = arith.constant 0 : i32
          %dma_start3A_85 = tpu.memref_slice %arg4[%add3A, %dma_start3A_83, %dma_start3A_84] : memref<32x79x128xi32, #tpu.memory_space<hbm>> -> memref<1x39x128xi32, #tpu.memory_space<hbm>>
          %dma_start3A_86 = tpu.memref_squeeze %dma_start3A_85 : memref<1x39x128xi32, #tpu.memory_space<hbm>> -> memref<39x128xi32, #tpu.memory_space<hbm>>
          %dma_start3A_87 = arith.constant 0 : i32
          %dma_start3A_88 = arith.constant 0 : i32
          %dma_start3A_89 = tpu.memref_slice %arg9[%dma_start3A_87, %dma_start3A_88] : memref<40x128xi32, #tpu.memory_space<vmem>> -> memref<39x128xi32, #tpu.memory_space<vmem>>
          %dma_start3A_90 = arith.constant 40 : i32
          %dma_start3A_91 = arith.constant 0 : i32
          %dma_start3A_92 = tpu.memref_slice %arg4[%add3A, %dma_start3A_90, %dma_start3A_91] : memref<32x79x128xi32, #tpu.memory_space<hbm>> -> memref<1x39x128xi32, #tpu.memory_space<hbm>>
          %dma_start3A_93 = tpu.memref_squeeze %dma_start3A_92 : memref<1x39x128xi32, #tpu.memory_space<hbm>> -> memref<39x128xi32, #tpu.memory_space<hbm>>
          tpu.enqueue_dma source(%dma_start3A_93 : memref<39x128xi32, #tpu.memory_space<hbm>>) target(%dma_start3A_89 : memref<39x128xi32, #tpu.memory_space<vmem>>) target_semaphore(%run_scoped3A : memref<!tpu.dma_semaphore, #tpu.memory_space<semaphore_mem>>)
          %dma_wait3A_94 = arith.constant 0 : i32
          %dma_wait3A_95 = arith.constant 0 : i32
          %dma_wait3A_96 = tpu.memref_slice %arg9[%dma_wait3A_94, %dma_wait3A_95] : memref<40x128xi32, #tpu.memory_space<vmem>> -> memref<39x128xi32, #tpu.memory_space<vmem>>
          %dma_wait3A_97 = arith.constant 40 : i32
          %dma_wait3A_98 = arith.constant 0 : i32
          %dma_wait3A_99 = tpu.memref_slice %arg4[%add3A, %dma_wait3A_97, %dma_wait3A_98] : memref<32x79x128xi32, #tpu.memory_space<hbm>> -> memref<1x39x128xi32, #tpu.memory_space<hbm>>
          %dma_wait3A_100 = tpu.memref_squeeze %dma_wait3A_99 : memref<1x39x128xi32, #tpu.memory_space<hbm>> -> memref<39x128xi32, #tpu.memory_space<hbm>>
          %dma_wait3A_101 = arith.constant 0 : i32
          %dma_wait3A_102 = arith.constant 0 : i32
          %dma_wait3A_103 = tpu.memref_slice %arg9[%dma_wait3A_101, %dma_wait3A_102] : memref<40x128xi32, #tpu.memory_space<vmem>> -> memref<39x128xi32, #tpu.memory_space<vmem>>
          %dma_wait3A_104 = arith.constant 40 : i32
          %dma_wait3A_105 = arith.constant 0 : i32
          %dma_wait3A_106 = tpu.memref_slice %arg4[%add3A, %dma_wait3A_104, %dma_wait3A_105] : memref<32x79x128xi32, #tpu.memory_space<hbm>> -> memref<1x39x128xi32, #tpu.memory_space<hbm>>
          %dma_wait3A_107 = tpu.memref_squeeze %dma_wait3A_106 : memref<1x39x128xi32, #tpu.memory_space<hbm>> -> memref<39x128xi32, #tpu.memory_space<hbm>>
          tpu.wait_dma2 semaphore(%run_scoped3A : memref<!tpu.dma_semaphore, #tpu.memory_space<semaphore_mem>>) src(%dma_wait3A_107 : memref<39x128xi32, #tpu.memory_space<hbm>>) dst(%dma_wait3A_103 : memref<39x128xi32, #tpu.memory_space<vmem>>)
          tpu.yield
        }) : () -> ()
      } else {
      }
      %mul3A_52 = arith.constant 128 : i32
      %mul3A_53 = arith.muli %mul3A_36, %mul3A_52 : i32
      %dma_wait3A_54 = tpu.memref_slice %arg8[%mul3A_53] : memref<10112xi32, #tpu.memory_space<vmem>> -> memref<128xi32, #tpu.memory_space<vmem>>
      %dma_wait3A_55 = arith.constant 0 : i32
      %dma_wait3A_56 = arith.constant 0 : i32
      %dma_wait3A_57 = tpu.memref_slice %arg2[%dma_wait3A_55, %dma_wait3A_56] : memref<10000x128xf32, #tpu.memory_space<hbm>> -> memref<10000x128xf32, #tpu.memory_space<hbm>>
      tpu.wait_indirect_dma semaphore(%arg12 : memref<!tpu.dma_semaphore, #tpu.memory_space<semaphore_mem>>) src(%dma_wait3A_57 : memref<10000x128xf32, #tpu.memory_space<hbm>>) dst(%arg10 : memref<128x128xf32, #tpu.memory_space<vmem>>)
      %lt3A = arith.constant 40 : i32
      %lt3A_58 = arith.cmpi slt, %mul3A_36, %lt3A : i32
      %sub3A = arith.constant 40 : i32
      %sub3A_59 = arith.subi %mul3A_36, %sub3A : i32
      %select_n3A_60 = arith.select %lt3A_58, %mul3A_36, %sub3A_59 : i32
      "tpu.region"() ({
        %run_scoped3A = tpu.sem_alloc : memref<!tpu.dma_semaphore, #tpu.memory_space<semaphore_mem>>
        %dma_start3A_80 = arith.constant 0 : i32
        %dma_start3A_81 = tpu.memref_slice %arg9[%select_n3A_60, %dma_start3A_80] : memref<40x128xi32, #tpu.memory_space<vmem>> -> memref<1x128xi32, #tpu.memory_space<vmem>>
        %dma_start3A_82 = tpu.memref_squeeze %dma_start3A_81 : memref<1x128xi32, #tpu.memory_space<vmem>> -> memref<128xi32, #tpu.memory_space<vmem>>
        %dma_start3A_83 = arith.constant 0 : i32
        %dma_start3A_84 = arith.constant 0 : i32
        %dma_start3A_85 = tpu.memref_slice %arg7[%dma_start3A_83, %dma_start3A_84] : memref<10000x128xf32, #tpu.memory_space<vmem_shared>> -> memref<10000x128xf32, #tpu.memory_space<vmem_shared>>
        tpu.enqueue_indirect_dma source(%arg10 : memref<128x128xf32, #tpu.memory_space<vmem>>) target(%dma_start3A_85 : memref<10000x128xf32, #tpu.memory_space<vmem_shared>>) offsets(%dma_start3A_82 : memref<128xi32, #tpu.memory_space<vmem>>) semaphore(%run_scoped3A : memref<!tpu.dma_semaphore, #tpu.memory_space<semaphore_mem>>) {add = true}
        %dma_wait3A_86 = arith.constant 0 : i32
        %dma_wait3A_87 = tpu.memref_slice %arg9[%select_n3A_60, %dma_wait3A_86] : memref<40x128xi32, #tpu.memory_space<vmem>> -> memref<1x128xi32, #tpu.memory_space<vmem>>
        %dma_wait3A_88 = tpu.memref_squeeze %dma_wait3A_87 : memref<1x128xi32, #tpu.memory_space<vmem>> -> memref<128xi32, #tpu.memory_space<vmem>>
        %dma_wait3A_89 = arith.constant 0 : i32
        %dma_wait3A_90 = arith.constant 0 : i32
        %dma_wait3A_91 = tpu.memref_slice %arg7[%dma_wait3A_89, %dma_wait3A_90] : memref<10000x128xf32, #tpu.memory_space<vmem_shared>> -> memref<10000x128xf32, #tpu.memory_space<vmem_shared>>
        tpu.wait_indirect_dma semaphore(%run_scoped3A : memref<!tpu.dma_semaphore, #tpu.memory_space<semaphore_mem>>) src(%arg10 : memref<128x128xf32, #tpu.memory_space<vmem>>) dst(%dma_wait3A_91 : memref<10000x128xf32, #tpu.memory_space<vmem_shared>>)
        tpu.yield
      }) : () -> ()
      %add3A_61 = arith.constant 2 : i32
      %add3A_62 = arith.addi %mul3A_36, %add3A_61 : i32
      %mul3A_63 = arith.constant 128 : i32
      %mul3A_64 = arith.muli %add3A_62, %mul3A_63 : i32
      %dma_start3A_65 = tpu.memref_slice %arg8[%mul3A_64] : memref<10112xi32, #tpu.memory_space<vmem>> -> memref<128xi32, #tpu.memory_space<vmem>>
      %dma_start3A_66 = arith.constant 0 : i32
      %dma_start3A_67 = arith.constant 0 : i32
      %dma_start3A_68 = tpu.memref_slice %arg2[%dma_start3A_66, %dma_start3A_67] : memref<10000x128xf32, #tpu.memory_space<hbm>> -> memref<10000x128xf32, #tpu.memory_space<hbm>>
      tpu.enqueue_indirect_dma source(%dma_start3A_68 : memref<10000x128xf32, #tpu.memory_space<hbm>>) target(%arg10 : memref<128x128xf32, #tpu.memory_space<vmem>>) offsets(%dma_start3A_65 : memref<128xi32, #tpu.memory_space<vmem>>) semaphore(%arg12 : memref<!tpu.dma_semaphore, #tpu.memory_space<semaphore_mem>>)
      %mul3A_69 = arith.constant 128 : i32
      %mul3A_70 = arith.muli %add3A_40, %mul3A_69 : i32
      %dma_wait3A_71 = tpu.memref_slice %arg8[%mul3A_70] : memref<10112xi32, #tpu.memory_space<vmem>> -> memref<128xi32, #tpu.memory_space<vmem>>
      %dma_wait3A_72 = arith.constant 0 : i32
      %dma_wait3A_73 = arith.constant 0 : i32
      %dma_wait3A_74 = tpu.memref_slice %arg2[%dma_wait3A_72, %dma_wait3A_73] : memref<10000x128xf32, #tpu.memory_space<hbm>> -> memref<10000x128xf32, #tpu.memory_space<hbm>>
      tpu.wait_indirect_dma semaphore(%arg13 : memref<!tpu.dma_semaphore, #tpu.memory_space<semaphore_mem>>) src(%dma_wait3A_74 : memref<10000x128xf32, #tpu.memory_space<hbm>>) dst(%arg11 : memref<128x128xf32, #tpu.memory_space<vmem>>)
      %lt3A_75 = arith.constant 40 : i32
      %lt3A_76 = arith.cmpi slt, %add3A_40, %lt3A_75 : i32
      %sub3A_77 = arith.constant 40 : i32
      %sub3A_78 = arith.subi %add3A_40, %sub3A_77 : i32
      %select_n3A_79 = arith.select %lt3A_76, %add3A_40, %sub3A_78 : i32
      "tpu.region"() ({
        %run_scoped3A = tpu.sem_alloc : memref<!tpu.dma_semaphore, #tpu.memory_space<semaphore_mem>>
        %dma_start3A_80 = arith.constant 0 : i32
        %dma_start3A_81 = tpu.memref_slice %arg9[%select_n3A_79, %dma_start3A_80] : memref<40x128xi32, #tpu.memory_space<vmem>> -> memref<1x128xi32, #tpu.memory_space<vmem>>
        %dma_start3A_82 = tpu.memref_squeeze %dma_start3A_81 : memref<1x128xi32, #tpu.memory_space<vmem>> -> memref<128xi32, #tpu.memory_space<vmem>>
        %dma_start3A_83 = arith.constant 0 : i32
        %dma_start3A_84 = arith.constant 0 : i32
        %dma_start3A_85 = tpu.memref_slice %arg7[%dma_start3A_83, %dma_start3A_84] : memref<10000x128xf32, #tpu.memory_space<vmem_shared>> -> memref<10000x128xf32, #tpu.memory_space<vmem_shared>>
        tpu.enqueue_indirect_dma source(%arg11 : memref<128x128xf32, #tpu.memory_space<vmem>>) target(%dma_start3A_85 : memref<10000x128xf32, #tpu.memory_space<vmem_shared>>) offsets(%dma_start3A_82 : memref<128xi32, #tpu.memory_space<vmem>>) semaphore(%run_scoped3A : memref<!tpu.dma_semaphore, #tpu.memory_space<semaphore_mem>>) {add = true}
        %dma_wait3A_86 = arith.constant 0 : i32
        %dma_wait3A_87 = tpu.memref_slice %arg9[%select_n3A_79, %dma_wait3A_86] : memref<40x128xi32, #tpu.memory_space<vmem>> -> memref<1x128xi32, #tpu.memory_space<vmem>>
        %dma_wait3A_88 = tpu.memref_squeeze %dma_wait3A_87 : memref<1x128xi32, #tpu.memory_space<vmem>> -> memref<128xi32, #tpu.memory_space<vmem>>
        %dma_wait3A_89 = arith.constant 0 : i32
        %dma_wait3A_90 = arith.constant 0 : i32
        %dma_wait3A_91 = tpu.memref_slice %arg7[%dma_wait3A_89, %dma_wait3A_90] : memref<10000x128xf32, #tpu.memory_space<vmem_shared>> -> memref<10000x128xf32, #tpu.memory_space<vmem_shared>>
        tpu.wait_indirect_dma semaphore(%run_scoped3A : memref<!tpu.dma_semaphore, #tpu.memory_space<semaphore_mem>>) src(%arg11 : memref<128x128xf32, #tpu.memory_space<vmem>>) dst(%dma_wait3A_91 : memref<10000x128xf32, #tpu.memory_space<vmem_shared>>)
        tpu.yield
      }) : () -> ()
    }
    %scan3A_17 = arith.constant 39 : i32
    %dma_wait3A = arith.constant 9984 : i32
    %dma_wait3A_18 = tpu.memref_slice %arg8[%dma_wait3A] : memref<10112xi32, #tpu.memory_space<vmem>> -> memref<128xi32, #tpu.memory_space<vmem>>
    %dma_wait3A_19 = arith.constant 0 : i32
    %dma_wait3A_20 = arith.constant 0 : i32
    %dma_wait3A_21 = tpu.memref_slice %arg2[%dma_wait3A_19, %dma_wait3A_20] : memref<10000x128xf32, #tpu.memory_space<hbm>> -> memref<10000x128xf32, #tpu.memory_space<hbm>>
    tpu.wait_indirect_dma semaphore(%arg12 : memref<!tpu.dma_semaphore, #tpu.memory_space<semaphore_mem>>) src(%dma_wait3A_21 : memref<10000x128xf32, #tpu.memory_space<hbm>>) dst(%arg10 : memref<128x128xf32, #tpu.memory_space<vmem>>)
    %jit3A = arith.constant false
    %jit3A_22 = arith.constant 78 : i32
    %jit3A_23 = arith.constant 38 : i32
    %select_n3A = arith.select %jit3A, %jit3A_22, %jit3A_23 : i32
    "tpu.region"() ({
      %run_scoped3A = tpu.sem_alloc : memref<!tpu.dma_semaphore, #tpu.memory_space<semaphore_mem>>
      %dma_start3A_34 = arith.constant 0 : i32
      %dma_start3A_35 = tpu.memref_slice %arg9[%select_n3A, %dma_start3A_34] : memref<40x128xi32, #tpu.memory_space<vmem>> -> memref<1x128xi32, #tpu.memory_space<vmem>>
      %dma_start3A_36 = tpu.memref_squeeze %dma_start3A_35 : memref<1x128xi32, #tpu.memory_space<vmem>> -> memref<128xi32, #tpu.memory_space<vmem>>
      %dma_start3A_37 = arith.constant 0 : i32
      %dma_start3A_38 = arith.constant 0 : i32
      %dma_start3A_39 = tpu.memref_slice %arg7[%dma_start3A_37, %dma_start3A_38] : memref<10000x128xf32, #tpu.memory_space<vmem_shared>> -> memref<10000x128xf32, #tpu.memory_space<vmem_shared>>
      tpu.enqueue_indirect_dma source(%arg10 : memref<128x128xf32, #tpu.memory_space<vmem>>) target(%dma_start3A_39 : memref<10000x128xf32, #tpu.memory_space<vmem_shared>>) offsets(%dma_start3A_36 : memref<128xi32, #tpu.memory_space<vmem>>) semaphore(%run_scoped3A : memref<!tpu.dma_semaphore, #tpu.memory_space<semaphore_mem>>) {add = true}
      %dma_wait3A_40 = arith.constant 0 : i32
      %dma_wait3A_41 = tpu.memref_slice %arg9[%select_n3A, %dma_wait3A_40] : memref<40x128xi32, #tpu.memory_space<vmem>> -> memref<1x128xi32, #tpu.memory_space<vmem>>
      %dma_wait3A_42 = tpu.memref_squeeze %dma_wait3A_41 : memref<1x128xi32, #tpu.memory_space<vmem>> -> memref<128xi32, #tpu.memory_space<vmem>>
      %dma_wait3A_43 = arith.constant 0 : i32
      %dma_wait3A_44 = arith.constant 0 : i32
      %dma_wait3A_45 = tpu.memref_slice %arg7[%dma_wait3A_43, %dma_wait3A_44] : memref<10000x128xf32, #tpu.memory_space<vmem_shared>> -> memref<10000x128xf32, #tpu.memory_space<vmem_shared>>
      tpu.wait_indirect_dma semaphore(%run_scoped3A : memref<!tpu.dma_semaphore, #tpu.memory_space<semaphore_mem>>) src(%arg10 : memref<128x128xf32, #tpu.memory_space<vmem>>) dst(%dma_wait3A_45 : memref<10000x128xf32, #tpu.memory_space<vmem_shared>>)
      tpu.yield
    }) : () -> ()
    %barrier3A_24 = arith.constant 0 : index
    tpu.barrier barrier_id(%barrier3A_24)
    %mul3A_25 = arith.constant 624 : i32
    %mul3A_26 = arith.muli %arg1, %mul3A_25 : i32
    %mul3A_27 = arith.constant 624 : i32
    %mul3A_28 = arith.muli %arg1, %mul3A_27 : i32
    "tpu.region"() ({
      %run_scoped3A = tpu.sem_alloc : memref<!tpu.dma_semaphore, #tpu.memory_space<semaphore_mem>>
      %dma_start3A_34 = arith.constant 0 : i32
      %dma_start3A_35 = tpu.memref_slice %arg6[%arg0, %mul3A_28, %dma_start3A_34] : memref<2x10000x128xf32, #tpu.memory_space<hbm>> -> memref<1x624x128xf32, #tpu.memory_space<hbm>>
      %dma_start3A_36 = tpu.memref_squeeze %dma_start3A_35 : memref<1x624x128xf32, #tpu.memory_space<hbm>> -> memref<624x128xf32, #tpu.memory_space<hbm>>
      %dma_start3A_37 = arith.constant 0 : i32
      %dma_start3A_38 = tpu.memref_slice %arg7[%mul3A_26, %dma_start3A_37] : memref<10000x128xf32, #tpu.memory_space<vmem_shared>> -> memref<624x128xf32, #tpu.memory_space<vmem_shared>>
      tpu.enqueue_dma source(%dma_start3A_38 : memref<624x128xf32, #tpu.memory_space<vmem_shared>>) target(%dma_start3A_36 : memref<624x128xf32, #tpu.memory_space<hbm>>) target_semaphore(%run_scoped3A : memref<!tpu.dma_semaphore, #tpu.memory_space<semaphore_mem>>)
      %dma_wait3A_39 = arith.constant 0 : i32
      %dma_wait3A_40 = tpu.memref_slice %arg6[%arg0, %mul3A_28, %dma_wait3A_39] : memref<2x10000x128xf32, #tpu.memory_space<hbm>> -> memref<1x624x128xf32, #tpu.memory_space<hbm>>
      %dma_wait3A_41 = tpu.memref_squeeze %dma_wait3A_40 : memref<1x624x128xf32, #tpu.memory_space<hbm>> -> memref<624x128xf32, #tpu.memory_space<hbm>>
      %dma_wait3A_42 = arith.constant 0 : i32
      %dma_wait3A_43 = tpu.memref_slice %arg7[%mul3A_26, %dma_wait3A_42] : memref<10000x128xf32, #tpu.memory_space<vmem_shared>> -> memref<624x128xf32, #tpu.memory_space<vmem_shared>>
      tpu.wait_dma2 semaphore(%run_scoped3A : memref<!tpu.dma_semaphore, #tpu.memory_space<semaphore_mem>>) src(%dma_wait3A_43 : memref<624x128xf32, #tpu.memory_space<vmem_shared>>) dst(%dma_wait3A_41 : memref<624x128xf32, #tpu.memory_space<hbm>>)
      tpu.yield
    }) : () -> ()
    %eq3A_29 = arith.constant 15 : i32
    %eq3A_30 = arith.cmpi eq, %arg1, %eq3A_29 : i32
    %convert_element_type3A_31 = arith.extui %eq3A_30 : i1 to i32
    %cond3A_32 = arith.constant 0 : i32
    %cond3A_33 = arith.cmpi ne, %convert_element_type3A_31, %cond3A_32 : i32
    scf.if %cond3A_33 {
      "tpu.region"() ({
        %run_scoped3A = tpu.sem_alloc : memref<!tpu.dma_semaphore, #tpu.memory_space<semaphore_mem>>
        %dma_start3A_34 = arith.constant 9984 : i32
        %dma_start3A_35 = arith.constant 0 : i32
        %dma_start3A_36 = tpu.memref_slice %arg6[%arg0, %dma_start3A_34, %dma_start3A_35] : memref<2x10000x128xf32, #tpu.memory_space<hbm>> -> memref<1x16x128xf32, #tpu.memory_space<hbm>>
        %dma_start3A_37 = tpu.memref_squeeze %dma_start3A_36 : memref<1x16x128xf32, #tpu.memory_space<hbm>> -> memref<16x128xf32, #tpu.memory_space<hbm>>
        %dma_start3A_38 = arith.constant 9984 : i32
        %dma_start3A_39 = arith.constant 0 : i32
        %dma_start3A_40 = tpu.memref_slice %arg7[%dma_start3A_38, %dma_start3A_39] : memref<10000x128xf32, #tpu.memory_space<vmem_shared>> -> memref<16x128xf32, #tpu.memory_space<vmem_shared>>
        tpu.enqueue_dma source(%dma_start3A_40 : memref<16x128xf32, #tpu.memory_space<vmem_shared>>) target(%dma_start3A_37 : memref<16x128xf32, #tpu.memory_space<hbm>>) target_semaphore(%run_scoped3A : memref<!tpu.dma_semaphore, #tpu.memory_space<semaphore_mem>>)
        %dma_wait3A_41 = arith.constant 9984 : i32
        %dma_wait3A_42 = arith.constant 0 : i32
        %dma_wait3A_43 = tpu.memref_slice %arg6[%arg0, %dma_wait3A_41, %dma_wait3A_42] : memref<2x10000x128xf32, #tpu.memory_space<hbm>> -> memref<1x16x128xf32, #tpu.memory_space<hbm>>
        %dma_wait3A_44 = tpu.memref_squeeze %dma_wait3A_43 : memref<1x16x128xf32, #tpu.memory_space<hbm>> -> memref<16x128xf32, #tpu.memory_space<hbm>>
        %dma_wait3A_45 = arith.constant 9984 : i32
        %dma_wait3A_46 = arith.constant 0 : i32
        %dma_wait3A_47 = tpu.memref_slice %arg7[%dma_wait3A_45, %dma_wait3A_46] : memref<10000x128xf32, #tpu.memory_space<vmem_shared>> -> memref<16x128xf32, #tpu.memory_space<vmem_shared>>
        tpu.wait_dma2 semaphore(%run_scoped3A : memref<!tpu.dma_semaphore, #tpu.memory_space<semaphore_mem>>) src(%dma_wait3A_47 : memref<16x128xf32, #tpu.memory_space<vmem_shared>>) dst(%dma_wait3A_44 : memref<16x128xf32, #tpu.memory_space<hbm>>)
        tpu.yield
      }) : () -> ()
    } else {
    }
    return
  }
}

#map = affine_map<(d0, d1) -> (0)>
#map1 = affine_map<(d0, d1) -> (0, 0)>
module attributes {stable_mosaic.version = 14 : i64} {
  func.func @_p1_hist(%arg0: i32, %arg1: i32, %arg2: memref<320000xi32, #tpu.memory_space<hbm>>, %arg3: memref<32x10000xf32, #tpu.memory_space<hbm>>, %arg4: memref<10000xi32, #tpu.memory_space<vmem>>, %arg5: memref<10000xf32, #tpu.memory_space<vmem>>) attributes {dimension_semantics = [#tpu.dimension_semantics<core_parallel>, #tpu.dimension_semantics<subcore_parallel>], iteration_bounds = array<i64: 2, 16>, scalar_prefetch = 0 : i64, scratch_operands = 2 : i64, tpu.core_type = #tpu.core_type<sc_vector_subcore>, window_params = [{transform_indices = #map}, {transform_indices = #map1}]} {
    %mul3A = arith.constant 16 : i32
    %mul3A_0 = arith.muli %arg0, %mul3A : i32
    %add3A = arith.addi %mul3A_0, %arg1 : i32
    %scan3A = arith.constant 0 : i32
    %scan3A_1 = arith.constant 0 : i32
    %scan3A_2 = arith.constant 625 : i32
    %scan3A_3 = arith.addi %scan3A_1, %scan3A_2 : i32
    %scan3A_4 = arith.constant 1 : i32
    scf.for %scan3A_15 = %scan3A_1 to %scan3A_3 step %scan3A_4  : i32 {
      %broadcast_in_dim3A_16 = arith.constant 0.000000e+00 : f32
      %broadcast_in_dim3A_17 = vector.broadcast %broadcast_in_dim3A_16 : f32 to vector<16xf32>
      %mul3A_18 = arith.constant 16 : i32
      %mul3A_19 = arith.muli %scan3A_15, %mul3A_18 : i32
      %swap3A = arith.index_cast %mul3A_19 : i32 to index
      %swap3A_20 = tpu.vector_load %arg5[%swap3A] {strides = array<i32>} : memref<10000xf32, #tpu.memory_space<vmem>>, vector<16xf32>,
      tpu.vector_store %arg5[%swap3A], %broadcast_in_dim3A_17 {strides = array<i32>} : memref<10000xf32, #tpu.memory_space<vmem>>, vector<16xf32>,
    }
    %scan3A_5 = arith.constant 625 : i32
    %mul3A_6 = arith.constant 10000 : i32
    %mul3A_7 = arith.muli %add3A, %mul3A_6 : i32
    "tpu.region"() ({
      %run_scoped3A = tpu.sem_alloc : memref<!tpu.dma_semaphore, #tpu.memory_space<semaphore_mem>>
      %dma_start3A = tpu.memref_slice %arg2[%mul3A_7] : memref<320000xi32, #tpu.memory_space<hbm>> -> memref<10000xi32, #tpu.memory_space<hbm>>
      %dma_start3A_15 = tpu.memref_slice %arg2[%mul3A_7] : memref<320000xi32, #tpu.memory_space<hbm>> -> memref<10000xi32, #tpu.memory_space<hbm>>
      tpu.enqueue_dma source(%dma_start3A_15 : memref<10000xi32, #tpu.memory_space<hbm>>) target(%arg4 : memref<10000xi32, #tpu.memory_space<vmem>>) target_semaphore(%run_scoped3A : memref<!tpu.dma_semaphore, #tpu.memory_space<semaphore_mem>>)
      %dma_wait3A = tpu.memref_slice %arg2[%mul3A_7] : memref<320000xi32, #tpu.memory_space<hbm>> -> memref<10000xi32, #tpu.memory_space<hbm>>
      %dma_wait3A_16 = tpu.memref_slice %arg2[%mul3A_7] : memref<320000xi32, #tpu.memory_space<hbm>> -> memref<10000xi32, #tpu.memory_space<hbm>>
      tpu.wait_dma2 semaphore(%run_scoped3A : memref<!tpu.dma_semaphore, #tpu.memory_space<semaphore_mem>>) src(%dma_wait3A_16 : memref<10000xi32, #tpu.memory_space<hbm>>) dst(%arg4 : memref<10000xi32, #tpu.memory_space<vmem>>)
      tpu.yield
    }) : () -> ()
    %broadcast_in_dim3A = arith.constant 1.000000e+00 : f32
    %broadcast_in_dim3A_8 = vector.broadcast %broadcast_in_dim3A : f32 to vector<16xf32>
    %scan3A_9 = arith.constant 0 : i32
    %scan3A_10 = arith.constant 0 : i32
    %scan3A_11 = arith.constant 625 : i32
    %scan3A_12 = arith.addi %scan3A_10, %scan3A_11 : i32
    %scan3A_13 = arith.constant 1 : i32
    scf.for %scan3A_15 = %scan3A_10 to %scan3A_12 step %scan3A_13  : i32 {
      %mul3A_16 = arith.constant 16 : i32
      %mul3A_17 = arith.muli %scan3A_15, %mul3A_16 : i32
      %get3A = arith.index_cast %mul3A_17 : i32 to index
      %get3A_18 = tpu.vector_load %arg4[%get3A] {strides = array<i32>} : memref<10000xi32, #tpu.memory_space<vmem>>, vector<16xi32>,
      tpu.vector_store_idx %arg5[%get3A_18], %broadcast_in_dim3A_8 {add = true} : memref<10000xf32, #tpu.memory_space<vmem>>[vector<16xi32>], vector<16xf32>,
    }
    %scan3A_14 = arith.constant 625 : i32
    "tpu.region"() ({
      %run_scoped3A = tpu.sem_alloc : memref<!tpu.dma_semaphore, #tpu.memory_space<semaphore_mem>>
      %dma_start3A = arith.constant 0 : i32
      %dma_start3A_15 = tpu.memref_slice %arg3[%add3A, %dma_start3A] : memref<32x10000xf32, #tpu.memory_space<hbm>> -> memref<1x10000xf32, #tpu.memory_space<hbm>>
      %dma_start3A_16 = tpu.memref_squeeze %dma_start3A_15 : memref<1x10000xf32, #tpu.memory_space<hbm>> -> memref<10000xf32, #tpu.memory_space<hbm>>
      %dma_start3A_17 = arith.constant 0 : i32
      %dma_start3A_18 = tpu.memref_slice %arg3[%add3A, %dma_start3A_17] : memref<32x10000xf32, #tpu.memory_space<hbm>> -> memref<1x10000xf32, #tpu.memory_space<hbm>>
      %dma_start3A_19 = tpu.memref_squeeze %dma_start3A_18 : memref<1x10000xf32, #tpu.memory_space<hbm>> -> memref<10000xf32, #tpu.memory_space<hbm>>
      tpu.enqueue_dma source(%arg5 : memref<10000xf32, #tpu.memory_space<vmem>>) target(%dma_start3A_19 : memref<10000xf32, #tpu.memory_space<hbm>>) target_semaphore(%run_scoped3A : memref<!tpu.dma_semaphore, #tpu.memory_space<semaphore_mem>>)
      %dma_wait3A = arith.constant 0 : i32
      %dma_wait3A_20 = tpu.memref_slice %arg3[%add3A, %dma_wait3A] : memref<32x10000xf32, #tpu.memory_space<hbm>> -> memref<1x10000xf32, #tpu.memory_space<hbm>>
      %dma_wait3A_21 = tpu.memref_squeeze %dma_wait3A_20 : memref<1x10000xf32, #tpu.memory_space<hbm>> -> memref<10000xf32, #tpu.memory_space<hbm>>
      %dma_wait3A_22 = arith.constant 0 : i32
      %dma_wait3A_23 = tpu.memref_slice %arg3[%add3A, %dma_wait3A_22] : memref<32x10000xf32, #tpu.memory_space<hbm>> -> memref<1x10000xf32, #tpu.memory_space<hbm>>
      %dma_wait3A_24 = tpu.memref_squeeze %dma_wait3A_23 : memref<1x10000xf32, #tpu.memory_space<hbm>> -> memref<10000xf32, #tpu.memory_space<hbm>>
      tpu.wait_dma2 semaphore(%run_scoped3A : memref<!tpu.dma_semaphore, #tpu.memory_space<semaphore_mem>>) src(%arg5 : memref<10000xf32, #tpu.memory_space<vmem>>) dst(%dma_wait3A_24 : memref<10000xf32, #tpu.memory_space<hbm>>)
      tpu.yield
    }) : () -> ()
    return
  }
}

module attributes {stable_mosaic.version = 14 : i64} {
  func.func @_p2_body(%arg0: i32, %arg1: memref<2000x128xf32, #tpu.memory_space<vmem>>, %arg2: memref<128x128xf32, #tpu.memory_space<vmem>>, %arg3: memref<1x2000x32xf32, #tpu.memory_space<vmem>>, %arg4: memref<2000x128xf32, #tpu.memory_space<vmem>>) attributes {dimension_semantics = [#tpu.dimension_semantics<arbitrary>], iteration_bounds = array<i64: 5>, scalar_prefetch = 0 : i64, scratch_operands = 0 : i64, tpu.core_type = #tpu.core_type<tc>, window_params = [{transform_indices = @transform_0, window_bounds = array<i64: 2000, 128>}, {pipeline_mode = #tpu.pipeline_mode<synchronous>, transform_indices = @transform_1, window_bounds = array<i64: 128, 128>}, {transform_indices = @transform_2, window_bounds = array<i64: 1, 2000, 32>}, {transform_indices = @transform_3, window_bounds = array<i64: 2000, 128>}]} {
    %get3A = arith.constant 0 : index
    %get3A_0 = arith.constant 0 : index
    %get3A_1 = vector.load %arg1[%get3A, %get3A_0] : memref<2000x128xf32, #tpu.memory_space<vmem>>, vector<2000x128xf32>
    %get3A_2 = arith.constant 0 : index
    %get3A_3 = arith.constant 0 : index
    %get3A_4 = vector.load %arg2[%get3A_2, %get3A_3] : memref<128x128xf32, #tpu.memory_space<vmem>>, vector<128x128xf32>
    %dot_general3A = arith.constant dense<0.000000e+00> : vector<2000x128xf32>
    %dot_general3A_5 = tpu.matmul %get3A_1, %get3A_4, %dot_general3A {dimension_numbers = #tpu.dot_dimension_numbers<[1], [0], [0], [1], [0, 0, 1, 1], [], []>, transpose_lhs_hint = false} : vector<2000x128xf32>, vector<128x128xf32>, vector<2000x128xf32> -> vector<2000x128xf32>
    %get3A_6 = arith.constant 0 : index
    %get3A_7 = arith.constant 0 : index
    %get3A_8 = arith.constant 0 : index
    %get3A_9 = vector.load %arg3[%get3A_6, %get3A_7, %get3A_8] : memref<1x2000x32xf32, #tpu.memory_space<vmem>>, vector<1x2000x32xf32>
    %get3A_10 = vector.shape_cast %get3A_9 : vector<1x2000x32xf32> to vector<2000x32xf32>
    %reduce_sum3A = arith.constant dense<0.000000e+00> : vector<2000xf32>
    %reduce_sum3A_11 = vector.multi_reduction <add>, %get3A_10, %reduce_sum3A [1] : vector<2000x32xf32> to vector<2000xf32>
    %add3A = arith.constant 1.000000e+00 : f32
    %add3A_12 = vector.broadcast %add3A : f32 to vector<2000xf32>
    %add3A_13 = arith.addf %reduce_sum3A_11, %add3A_12 : vector<2000xf32>
    %rsqrt3A = math.rsqrt %add3A_13 : vector<2000xf32>
    %broadcast_in_dim3A = vector.shape_cast %rsqrt3A : vector<2000xf32> to vector<2000x1xf32>
    %mul3A = vector.broadcast %broadcast_in_dim3A : vector<2000x1xf32> to vector<2000x128xf32>
    %mul3A_14 = arith.mulf %dot_general3A_5, %mul3A : vector<2000x128xf32>
    %swap3A = arith.constant 0 : index
    %swap3A_15 = arith.constant 0 : index
    %swap3A_16 = vector.load %arg4[%swap3A, %swap3A_15] : memref<2000x128xf32, #tpu.memory_space<vmem>>, vector<2000x128xf32>
    tpu.vector_store %arg4[%swap3A, %swap3A_15], %mul3A_14 {strides = array<i32>} : memref<2000x128xf32, #tpu.memory_space<vmem>>, vector<2000x128xf32>,
    return
  }
  func.func @transform_0(%arg0: i32) -> (i32, i32) {
    %c0_i32 = arith.constant 0 : i32
    %c0_i32_0 = arith.constant 0 : i32
    return %arg0, %c0_i32 : i32, i32
  }
  func.func @transform_1(%arg0: i32) -> (i32, i32) {
    %c0_i32 = arith.constant 0 : i32
    %c0_i32_0 = arith.constant 0 : i32
    %c0_i32_1 = arith.constant 0 : i32
    return %c0_i32, %c0_i32_0 : i32, i32
  }
  func.func @transform_2(%arg0: i32) -> (i32, i32, i32) {
    %c0_i32 = arith.constant 0 : i32
    %c0_i32_0 = arith.constant 0 : i32
    %c0_i32_1 = arith.constant 0 : i32
    return %arg0, %c0_i32, %c0_i32_0 : i32, i32, i32
  }
  func.func @transform_3(%arg0: i32) -> (i32, i32) {
    %c0_i32 = arith.constant 0 : i32
    %c0_i32_0 = arith.constant 0 : i32
    return %arg0, %c0_i32 : i32, i32
  }
}

module attributes {stable_mosaic.version = 14 : i64} {
  func.func @_p4_body(%arg0: i32, %arg1: memref<2x2000x128xf32, #tpu.memory_space<vmem>>, %arg2: memref<2000x128xf32, #tpu.memory_space<vmem>>, %arg3: memref<1x2000x32xf32, #tpu.memory_space<vmem>>, %arg4: memref<1x128xf32, #tpu.memory_space<vmem>>, %arg5: memref<1x128xf32, #tpu.memory_space<vmem>>, %arg6: memref<1x128xf32, #tpu.memory_space<vmem>>, %arg7: memref<2000x128xf32, #tpu.memory_space<vmem>>, %arg8: memref<10000x128xf32, #tpu.memory_space<vmem>>, %arg9: memref<8x128xf32, #tpu.memory_space<vmem>>) attributes {dimension_semantics = [#tpu.dimension_semantics<arbitrary>], iteration_bounds = array<i64: 10>, scalar_prefetch = 0 : i64, scratch_operands = 2 : i64, tpu.core_type = #tpu.core_type<tc>, window_params = [{transform_indices = @transform_0, window_bounds = array<i64: 2, 2000, 128>}, {transform_indices = @transform_1, window_bounds = array<i64: 2000, 128>}, {transform_indices = @transform_2, window_bounds = array<i64: 1, 2000, 32>}, {pipeline_mode = #tpu.pipeline_mode<synchronous>, transform_indices = @transform_3, window_bounds = array<i64: 1, 128>}, {pipeline_mode = #tpu.pipeline_mode<synchronous>, transform_indices = @transform_4, window_bounds = array<i64: 1, 128>}, {pipeline_mode = #tpu.pipeline_mode<synchronous>, transform_indices = @transform_5, window_bounds = array<i64: 1, 128>}, {transform_indices = @transform_6, window_bounds = array<i64: 2000, 128>}]} {
    %lt3A = arith.constant 5 : i32
    %lt3A_0 = arith.cmpi slt, %arg0, %lt3A : i32
    %convert_element_type3A = arith.extui %lt3A_0 : i1 to i32
    %cond3A = arith.constant 0 : i32
    %cond3A_1 = arith.cmpi ne, %convert_element_type3A, %cond3A : i32
    scf.if %cond3A_1 {
      %get3A = arith.constant 0 : index
      %get3A_6 = arith.constant 0 : index
      %get3A_7 = arith.constant 0 : index
      %get3A_8 = vector.load %arg3[%get3A, %get3A_6, %get3A_7] : memref<1x2000x32xf32, #tpu.memory_space<vmem>>, vector<1x2000x32xf32>
      %get3A_9 = vector.shape_cast %get3A_8 : vector<1x2000x32xf32> to vector<2000x32xf32>
      %reduce_sum3A = arith.constant dense<0.000000e+00> : vector<2000xf32>
      %reduce_sum3A_10 = vector.multi_reduction <add>, %get3A_9, %reduce_sum3A [1] : vector<2000x32xf32> to vector<2000xf32>
      %add3A = arith.constant 1.000000e+00 : f32
      %add3A_11 = vector.broadcast %add3A : f32 to vector<2000xf32>
      %add3A_12 = arith.addf %reduce_sum3A_10, %add3A_11 : vector<2000xf32>
      %rsqrt3A = math.rsqrt %add3A_12 : vector<2000xf32>
      %mul3A = arith.constant 2000 : i32
      %mul3A_13 = arith.muli %arg0, %mul3A : i32
      %iota3A = tpu.iota {dimensions = array<i32: 0>} : vector<2000x1xi32>
      %add3A_14 = vector.broadcast %mul3A_13 : i32 to vector<2000x1xi32>
      %add3A_15 = arith.addi %add3A_14, %iota3A : vector<2000x1xi32>
      %ge3A_16 = arith.constant 3584 : i32
      %ge3A_17 = vector.broadcast %ge3A_16 : i32 to vector<2000x1xi32>
      %ge3A_18 = arith.cmpi sge, %add3A_15, %ge3A_17 : vector<2000x1xi32>
      %convert_element_type3A_19 = arith.extui %ge3A_18 : vector<2000x1xi1> to vector<2000x1xi32>
      %convert_element_type3A_20 = arith.sitofp %convert_element_type3A_19 : vector<2000x1xi32> to vector<2000x1xf32>
      %get3A_21 = arith.constant 0 : index
      %get3A_22 = arith.constant 0 : index
      %get3A_23 = arith.constant 0 : index
      %get3A_24 = vector.load %arg1[%get3A_21, %get3A_22, %get3A_23] : memref<2x2000x128xf32, #tpu.memory_space<vmem>>, vector<1x2000x128xf32>
      %get3A_25 = vector.shape_cast %get3A_24 : vector<1x2000x128xf32> to vector<2000x128xf32>
      %get3A_26 = arith.constant 1 : index
      %get3A_27 = arith.constant 0 : index
      %get3A_28 = arith.constant 0 : index
      %get3A_29 = vector.load %arg1[%get3A_26, %get3A_27, %get3A_28] : memref<2x2000x128xf32, #tpu.memory_space<vmem>>, vector<1x2000x128xf32>
      %get3A_30 = vector.shape_cast %get3A_29 : vector<1x2000x128xf32> to vector<2000x128xf32>
      %add3A_31 = arith.addf %get3A_25, %get3A_30 : vector<2000x128xf32>
      %get3A_32 = arith.constant 0 : index
      %get3A_33 = arith.constant 0 : index
      %get3A_34 = vector.load %arg2[%get3A_32, %get3A_33] : memref<2000x128xf32, #tpu.memory_space<vmem>>, vector<2000x128xf32>
      %mul3A_35 = vector.broadcast %convert_element_type3A_20 : vector<2000x1xf32> to vector<2000x128xf32>
      %mul3A_36 = arith.mulf %get3A_34, %mul3A_35 : vector<2000x128xf32>
      %add3A_37 = arith.addf %add3A_31, %mul3A_36 : vector<2000x128xf32>
      %broadcast_in_dim3A = vector.shape_cast %rsqrt3A : vector<2000xf32> to vector<2000x1xf32>
      %mul3A_38 = vector.broadcast %broadcast_in_dim3A : vector<2000x1xf32> to vector<2000x128xf32>
      %mul3A_39 = arith.mulf %add3A_37, %mul3A_38 : vector<2000x128xf32>
      %get3A_40 = arith.constant 0 : index
      %get3A_41 = arith.constant 0 : index
      %get3A_42 = vector.load %arg4[%get3A_40, %get3A_41] : memref<1x128xf32, #tpu.memory_space<vmem>>, vector<1x128xf32>
      %add3A_43 = vector.broadcast %get3A_42 : vector<1x128xf32> to vector<2000x128xf32>
      %add3A_44 = arith.addf %mul3A_39, %add3A_43 : vector<2000x128xf32>
      %mul3A_45 = arith.constant 2000 : i32
      %mul3A_46 = arith.muli %arg0, %mul3A_45 : i32
      %multiple_of3A = tpu.assume_multiple %mul3A_46, 8 : i32
      %swap3A = arith.index_cast %multiple_of3A : i32 to index
      %swap3A_47 = arith.constant 0 : index
      %swap3A_48 = vector.load %arg8[%swap3A, %swap3A_47] : memref<10000x128xf32, #tpu.memory_space<vmem>>, vector<2000x128xf32>
      tpu.vector_store %arg8[%swap3A, %swap3A_47], %add3A_44 {strides = array<i32>} : memref<10000x128xf32, #tpu.memory_space<vmem>>, vector<2000x128xf32>,
      %reduce_sum3A_49 = arith.constant dense<0.000000e+00> : vector<128xf32>
      %reduce_sum3A_50 = vector.multi_reduction <add>, %add3A_44, %reduce_sum3A_49 [0] : vector<2000x128xf32> to vector<128xf32>
      %mul3A_51 = arith.mulf %add3A_44, %add3A_44 : vector<2000x128xf32>
      %reduce_sum3A_52 = arith.constant dense<0.000000e+00> : vector<128xf32>
      %reduce_sum3A_53 = vector.multi_reduction <add>, %mul3A_51, %reduce_sum3A_52 [0] : vector<2000x128xf32> to vector<128xf32>
      %eq3A = arith.constant 0 : i32
      %eq3A_54 = arith.cmpi eq, %arg0, %eq3A : i32
      %get3A_55 = arith.constant 0 : index
      %get3A_56 = arith.constant 0 : index
      %get3A_57 = vector.load %arg9[%get3A_55, %get3A_56] : memref<8x128xf32, #tpu.memory_space<vmem>>, vector<8x128xf32>
      %jit3A = arith.constant 0.000000e+00 : f32
      %broadcast_in_dim3A_58 = vector.broadcast %jit3A : f32 to vector<8x128xf32>
      %select_n3A = arith.select %eq3A_54, %broadcast_in_dim3A_58, %get3A_57 : vector<8x128xf32>
      %slice3A = vector.extract_strided_slice %select_n3A {offsets = [0, 0], sizes = [1, 128], strides = [1, 1]} : vector<8x128xf32> to vector<1x128xf32>
      %squeeze3A = vector.shape_cast %slice3A : vector<1x128xf32> to vector<128xf32>
      %add3A_59 = arith.addf %squeeze3A, %reduce_sum3A_50 : vector<128xf32>
      %broadcast_in_dim3A_60 = vector.shape_cast %add3A_59 : vector<128xf32> to vector<1x128xf32>
      %swap3A_61 = arith.constant 0 : index
      %swap3A_62 = arith.constant 0 : index
      %swap3A_63 = vector.load %arg9[%swap3A_61, %swap3A_62] : memref<8x128xf32, #tpu.memory_space<vmem>>, vector<1x128xf32>
      tpu.vector_store %arg9[%swap3A_61, %swap3A_62], %broadcast_in_dim3A_60 {strides = array<i32>} : memref<8x128xf32, #tpu.memory_space<vmem>>, vector<1x128xf32>,
      %slice3A_64 = vector.extract_strided_slice %select_n3A {offsets = [1, 0], sizes = [1, 128], strides = [1, 1]} : vector<8x128xf32> to vector<1x128xf32>
      %squeeze3A_65 = vector.shape_cast %slice3A_64 : vector<1x128xf32> to vector<128xf32>
      %add3A_66 = arith.addf %squeeze3A_65, %reduce_sum3A_53 : vector<128xf32>
      %broadcast_in_dim3A_67 = vector.shape_cast %add3A_66 : vector<128xf32> to vector<1x128xf32>
      %swap3A_68 = arith.constant 1 : index
      %swap3A_69 = arith.constant 0 : index
      %swap3A_70 = vector.load %arg9[%swap3A_68, %swap3A_69] : memref<8x128xf32, #tpu.memory_space<vmem>>, vector<1x128xf32>
      tpu.vector_store %arg9[%swap3A_68, %swap3A_69], %broadcast_in_dim3A_67 {strides = array<i32>} : memref<8x128xf32, #tpu.memory_space<vmem>>, vector<1x128xf32>,
    } else {
    }
    %ge3A = arith.constant 5 : i32
    %ge3A_2 = arith.cmpi sge, %arg0, %ge3A : i32
    %convert_element_type3A_3 = arith.extui %ge3A_2 : i1 to i32
    %cond3A_4 = arith.constant 0 : i32
    %cond3A_5 = arith.cmpi ne, %convert_element_type3A_3, %cond3A_4 : i32
    scf.if %cond3A_5 {
      %sub3A = arith.constant 5 : i32
      %sub3A_6 = arith.subi %arg0, %sub3A : i32
      %get3A = arith.constant 0 : index
      %get3A_7 = arith.constant 0 : index
      %get3A_8 = vector.load %arg9[%get3A, %get3A_7] : memref<8x128xf32, #tpu.memory_space<vmem>>, vector<1x128xf32>
      %div3A = arith.constant 1.000000e+04 : f32
      %div3A_9 = vector.broadcast %div3A : f32 to vector<1x128xf32>
      %div3A_10 = arith.divf %get3A_8, %div3A_9 : vector<1x128xf32>
      %get3A_11 = arith.constant 1 : index
      %get3A_12 = arith.constant 0 : index
      %get3A_13 = vector.load %arg9[%get3A_11, %get3A_12] : memref<8x128xf32, #tpu.memory_space<vmem>>, vector<1x128xf32>
      %div3A_14 = arith.constant 1.000000e+04 : f32
      %div3A_15 = vector.broadcast %div3A_14 : f32 to vector<1x128xf32>
      %div3A_16 = arith.divf %get3A_13, %div3A_15 : vector<1x128xf32>
      %mul3A = arith.mulf %div3A_10, %div3A_10 : vector<1x128xf32>
      %sub3A_17 = arith.subf %div3A_16, %mul3A : vector<1x128xf32>
      %add3A = arith.constant 9.99999974E-6 : f32
      %add3A_18 = vector.broadcast %add3A : f32 to vector<1x128xf32>
      %add3A_19 = arith.addf %sub3A_17, %add3A_18 : vector<1x128xf32>
      %rsqrt3A = math.rsqrt %add3A_19 : vector<1x128xf32>
      %mul3A_20 = arith.constant 2000 : i32
      %mul3A_21 = arith.muli %sub3A_6, %mul3A_20 : i32
      %multiple_of3A = tpu.assume_multiple %mul3A_21, 8 : i32
      %get3A_22 = arith.index_cast %multiple_of3A : i32 to index
      %get3A_23 = arith.constant 0 : index
      %get3A_24 = vector.load %arg8[%get3A_22, %get3A_23] : memref<10000x128xf32, #tpu.memory_space<vmem>>, vector<2000x128xf32>
      %sub3A_25 = vector.broadcast %div3A_10 : vector<1x128xf32> to vector<2000x128xf32>
      %sub3A_26 = arith.subf %get3A_24, %sub3A_25 : vector<2000x128xf32>
      %mul3A_27 = vector.broadcast %rsqrt3A : vector<1x128xf32> to vector<2000x128xf32>
      %mul3A_28 = arith.mulf %sub3A_26, %mul3A_27 : vector<2000x128xf32>
      %get3A_29 = arith.constant 0 : index
      %get3A_30 = arith.constant 0 : index
      %get3A_31 = vector.load %arg5[%get3A_29, %get3A_30] : memref<1x128xf32, #tpu.memory_space<vmem>>, vector<1x128xf32>
      %mul3A_32 = vector.broadcast %get3A_31 : vector<1x128xf32> to vector<2000x128xf32>
      %mul3A_33 = arith.mulf %mul3A_28, %mul3A_32 : vector<2000x128xf32>
      %get3A_34 = arith.constant 0 : index
      %get3A_35 = arith.constant 0 : index
      %get3A_36 = vector.load %arg6[%get3A_34, %get3A_35] : memref<1x128xf32, #tpu.memory_space<vmem>>, vector<1x128xf32>
      %add3A_37 = vector.broadcast %get3A_36 : vector<1x128xf32> to vector<2000x128xf32>
      %add3A_38 = arith.addf %mul3A_33, %add3A_37 : vector<2000x128xf32>
      %max3A = arith.constant 0.000000e+00 : f32
      %max3A_39 = vector.broadcast %max3A : f32 to vector<2000x128xf32>
      %max3A_40 = arith.maximumf %add3A_38, %max3A_39 : vector<2000x128xf32>
      %swap3A = arith.constant 0 : index
      %swap3A_41 = arith.constant 0 : index
      %swap3A_42 = vector.load %arg7[%swap3A, %swap3A_41] : memref<2000x128xf32, #tpu.memory_space<vmem>>, vector<2000x128xf32>
      tpu.vector_store %arg7[%swap3A, %swap3A_41], %max3A_40 {strides = array<i32>} : memref<2000x128xf32, #tpu.memory_space<vmem>>, vector<2000x128xf32>,
    } else {
    }
    return
  }
  func.func @transform_0(%arg0: i32) -> (i32, i32, i32) {
    %min3A = arith.constant 4 : i32
    %min3A_0 = arith.minsi %arg0, %min3A : i32
    %c0_i32 = arith.constant 0 : i32
    %c0_i32_1 = arith.constant 0 : i32
    %c0_i32_2 = arith.constant 0 : i32
    return %c0_i32, %min3A_0, %c0_i32_1 : i32, i32, i32
  }
  func.func @transform_1(%arg0: i32) -> (i32, i32) {
    %min3A = arith.constant 4 : i32
    %min3A_0 = arith.minsi %arg0, %min3A : i32
    %c0_i32 = arith.constant 0 : i32
    %c0_i32_1 = arith.constant 0 : i32
    return %min3A_0, %c0_i32 : i32, i32
  }
  func.func @transform_2(%arg0: i32) -> (i32, i32, i32) {
    %min3A = arith.constant 4 : i32
    %min3A_0 = arith.minsi %arg0, %min3A : i32
    %c0_i32 = arith.constant 0 : i32
    %c0_i32_1 = arith.constant 0 : i32
    %c0_i32_2 = arith.constant 0 : i32
    return %min3A_0, %c0_i32, %c0_i32_1 : i32, i32, i32
  }
  func.func @transform_3(%arg0: i32) -> (i32, i32) {
    %c0_i32 = arith.constant 0 : i32
    %c0_i32_0 = arith.constant 0 : i32
    %c0_i32_1 = arith.constant 0 : i32
    return %c0_i32, %c0_i32_0 : i32, i32
  }
  func.func @transform_4(%arg0: i32) -> (i32, i32) {
    %c0_i32 = arith.constant 0 : i32
    %c0_i32_0 = arith.constant 0 : i32
    %c0_i32_1 = arith.constant 0 : i32
    return %c0_i32, %c0_i32_0 : i32, i32
  }
  func.func @transform_5(%arg0: i32) -> (i32, i32) {
    %c0_i32 = arith.constant 0 : i32
    %c0_i32_0 = arith.constant 0 : i32
    %c0_i32_1 = arith.constant 0 : i32
    return %c0_i32, %c0_i32_0 : i32, i32
  }
  func.func @transform_6(%arg0: i32) -> (i32, i32) {
    %lt3A = arith.constant 5 : i32
    %lt3A_0 = arith.cmpi slt, %arg0, %lt3A : i32
    %sub3A = arith.constant 5 : i32
    %sub3A_1 = arith.subi %arg0, %sub3A : i32
    %jit3A = arith.constant 0 : i32
    %select_n3A = arith.select %lt3A_0, %jit3A, %sub3A_1 : i32
    %c0_i32 = arith.constant 0 : i32
    %c0_i32_2 = arith.constant 0 : i32
    return %select_n3A, %c0_i32 : i32, i32
  }
}

</mosaic_0001>

<sc_bundles>
// kernel: kernel.6.cloned.1.call-start
scs
__scs_entry_jumppad:
0x0: {  	(pc) =	sbr.rel $0x88, $3  }
0x1: {  	(tag) =	ssettag $0x0;
	lr =	simm.s32 $0x1  }
0x2: {  	[smem:$0x3F9B] =	sst lr;
	_ =	strace $0xD0000000  }
0x3: {  	_ = 	snop  }
0x4: {  	_ = 	snop  }
0x5: {  	_ = 	snop  }
0x6: {  	_ = 	snop  }
0x7: {  	_ = 	snop  }
__scs_overlays_trampoline_lowered:
0x8: {  	[smem:$0x3FAA] =	sst s0  }
0x9: {  	[smem:$0x3FAB] =	sst s1  }
0xa: {  	[smem:$0x3FAC] =	sst s2  }
0xb: {  	[smem:$0x3FAD] =	sst s3  }
0xc: {  	[smem:$0x3FAE] =	sst s4  }
0xd: {  	[smem:$0x3FAF] =	sst s5  }
0xe: {  	[smem:$0x3FB0] =	sst s6  }
0xf: {  	[smem:$0x3FB1] =	sst s7  }
0x10: {  	[smem:$0x3FB2] =	sst s8  }
0x11: {  	[smem:$0x3FB3] =	sst s9;
	s0 =	simm.s32 @!p0 $0x0  }
0x12: {  	s1 =	sld [smem:$0x3F99];
	s0 =	simm.s32 @p0 $0x1  }
0x13: {  	[smem:$0x3FB4] =	sst s0;
	s0 =	simm.s32 @!p1 $0x0  }
0x14: {  	s2 =	sld [smem:$0x3F98];
	s0 =	simm.s32 @p1 $0x1  }
0x15: {  	[smem:$0x3FB5] =	sst s0;
	s0 =	simm.s32 @!p2 $0x0  }
0x16: {  	s3 =	sld [smem:$0x3FDB];
	s0 =	simm.s32 @p2 $0x1  }
0x17: {  	s4 =	simm.s32 $0x1BF5;
	[smem:$0x3FB7] =	sst s0  }
0x18: {  	s0 =	sld [smem:$0x3F9A];
	_ =	swait.ge [sflag:s4], $0x0  }
0x19: {  	s7 =	sld [smem:$0x3F9B]  }
0x1a: {  	s8 =	sadd.s32 $0xFFFFE003, lr  }
0x1b: {  	s9 =	sadd.s32 $0xFFFFFEF7, lr;
	s5 =	simm.s32 $0xFFFFFFFF;
	p2 =	slt.u32 s8, $0xFFFFF086  }
0x1c: {  	p1 =	slt.u32 s9, $0xF7A;
	s5 =	simm.s32 @!p2 $0x0  }
0x1d: {  	s5 =	simm.s32 @p1 $0x1;
	p0 =	seq.s32 s7, s2  }
0x1e: {  	s7 =	smul.u32 @!p0 $0xF7A, s2;
	p2 =	seq.s32 @!p0 s5, $0x0  }
0x1f: {  	s9 =	smul.u32 $0xF7A, s1;
	s8 =	simm.s32 @!p0 $0x1BF5;
	p2 =	por !p2, p0  }
0x20: {  	[sflag:s8] =	ssyncset.s32 @!p0 $0xFFFFF086;
	s6 =	sadd.s32 @!p0 s3, s7;
	s7 =	simm.s32 @!p0 $0x108  }
0x21: {  	s3 =	sadd.s32 s3, s9;
	s6 =	sadd.s32 @!p0 $0x88, s6;
	s7 =	simm.s32 @p2 $0x1082  }
0x22: {  	[simem:s7], [sflag:s8] =	dma.local @!p0 [hbm:s6], $0xF7A  }
0x23: {  	s9 =	sor.u32 $0xD0000000, s2;
	s6 =	simm.s32 $0x108;
	_ =	swait.ge @!p0 [sflag:s8], $0x0  }
0x24: {  	s3 =	sadd.s32 $0x88, s3;
	s6 =	simm.s32 @!p1 $0x1082;
	[sflag:s4] =	ssyncset.s32 $0xFFFFF086  }
0x25: {  	[simem:s6], [sflag:s4] =	dma.local [hbm:s3], $0xF7A  }
0x26: {  	[smem:$0x3F9B] =	sst s1;
	(tag) =	ssettag s2;
	_ =	strace s9  }
0x27: {  	s1 =	sld [smem:$0x3FAB]  }
0x28: {  	s2 =	sld [smem:$0x3FAC]  }
0x29: {  	s4 =	sld [smem:$0x3FAE]  }
0x2a: {  	p0 =	seq.s32 s5, $0x0;
	s5 =	sld [smem:$0x3FAF]  }
0x2b: {  	s6 =	sld [smem:$0x3FB0]  }
0x2c: {  	s7 =	sld [smem:$0x3FB1]  }
0x2d: {  	s3 =	simm.s32 $0x108;
	s8 =	sld [smem:$0x3FB2]  }
0x2e: {  	s3 =	simm.s32 @!p0 $0x1082;
	s9 =	sld [smem:$0x3FB3]  }
0x2f: {  	lr =	sadd.s32 s0, s3;
	s0 =	sld [smem:$0x3FAA]  }
0x30: {  	s3 =	sld [smem:$0x3FAD]  }
0x31: {  	[smem:$0x3FB6] =	sst s10  }
0x32: {  	s10 =	sld [smem:$0x3FB4];
	_ =	sdelay $0x3  }
0x33: {  	p0 =	seq.s32 s10, $0x1;
	s10 =	sld [smem:$0x3FB6];
	_ =	sdelay $0x3  }
0x34: {  	[smem:$0x3FB6] =	sst s10  }
0x35: {  	s10 =	sld [smem:$0x3FB5];
	_ =	sdelay $0x3  }
0x36: {  	p1 =	seq.s32 s10, $0x1;
	s10 =	sld [smem:$0x3FB6];
	_ =	sdelay $0x3  }
0x37: {  	[smem:$0x3FB6] =	sst s10  }
0x38: {  	s10 =	sld [smem:$0x3FB7]  }
0x39: {  	_ = 	snop;
	(pc) =	sbr.ind lr, $3  }
0x3a: {  	_ = 	snop  }
0x3b: {  	_ = 	snop  }
0x3c: {  	p2 =	seq.s32 s10, $0x1;
	s10 =	sld [smem:$0x3FB6]  }
0x3d: {  	_ =	shalt  }
0x3e: {  	_ =	shalt  }
0x3f: {  	_ =	shalt  }
0x40: {  	_ =	shalt  }
0x41: {  	_ =	shalt  }
0x42: {  	_ =	shalt  }
0x43: {  	_ =	shalt  }
0x44: {  	_ =	shalt  }
0x45: {  	_ =	shalt  }
0x46: {  	_ =	shalt  }
0x47: {  	_ =	shalt  }
0x48: {  	_ =	shalt  }
0x49: {  	_ =	shalt  }
0x4a: {  	_ =	shalt  }
0x4b: {  	_ =	shalt  }
0x4c: {  	_ =	shalt  }
0x4d: {  	_ =	shalt  }
0x4e: {  	_ =	shalt  }
0x4f: {  	_ =	shalt  }
0x50: {  	_ =	shalt  }
0x51: {  	_ =	shalt  }
0x52: {  	_ =	shalt  }
0x53: {  	_ =	shalt  }
0x54: {  	_ =	shalt  }
0x55: {  	_ =	shalt  }
0x56: {  	_ =	shalt  }
0x57: {  	_ =	shalt  }
0x58: {  	_ =	shalt  }
0x59: {  	_ =	shalt  }
0x5a: {  	_ =	shalt  }
0x5b: {  	_ =	shalt  }
0x5c: {  	_ =	shalt  }
0x5d: {  	_ =	shalt  }
0x5e: {  	_ =	shalt  }
0x5f: {  	_ =	shalt  }
0x60: {  	_ =	shalt  }
0x61: {  	_ =	shalt  }
0x62: {  	_ =	shalt  }
0x63: {  	_ =	shalt  }
0x64: {  	_ =	shalt  }
0x65: {  	_ =	shalt  }
0x66: {  	_ =	shalt  }
0x67: {  	_ =	shalt  }
0x68: {  	_ =	shalt  }
0x69: {  	_ =	shalt  }
0x6a: {  	_ =	shalt  }
0x6b: {  	_ =	shalt  }
0x6c: {  	_ =	shalt  }
0x6d: {  	_ =	shalt  }
0x6e: {  	_ =	shalt  }
0x6f: {  	_ =	shalt  }
0x70: {  	_ =	shalt  }
0x71: {  	_ =	shalt  }
0x72: {  	_ =	shalt  }
0x73: {  	_ =	shalt  }
0x74: {  	_ =	shalt  }
0x75: {  	_ =	shalt  }
0x76: {  	_ =	shalt  }
0x77: {  	_ =	shalt  }
0x78: {  	_ =	shalt  }
0x79: {  	_ =	shalt  }
0x7a: {  	_ =	shalt  }
0x7b: {  	_ =	shalt  }
0x7c: {  	_ =	shalt  }
0x7d: {  	_ =	shalt  }
0x7e: {  	_ =	shalt  }
0x7f: {  	_ =	shalt  }
0x80: {  	_ =	shalt  }
0x81: {  	_ =	shalt  }
0x82: {  	_ =	shalt  }
0x83: {  	_ =	shalt  }
0x84: {  	_ =	shalt  }
0x85: {  	_ =	shalt  }
0x86: {  	_ =	shalt  }
0x87: {  	_ =	shalt  }
.Lfunc_end0:
.L_simem_size_0:
called_computation_lowered:
.L_overlay_start_0:
0x88: {  	s2 =	sld [smem:$0x3FD9]  }
0x89: {  	s3 =	sld [smem:$0x3FFE];
	_ =	sdelay $0x1  }
0x8a: {  	s1 =	srdreg.scid  }
0x8b: {  	s0 =	sand.u32 $0x1, s1  }
0x8c: {  	s17 =	sshll.u32 s0, $0xA;
	s2 =	sadd.s32 s3, s2  }
0x8d: {  	s2 =	sadd.s32 s2, s17  }
0x8e: {  	[smem:$0x3FC2] =	sst s2  }
0x8f: {  	_ = 	snop  }
0x90: {  	s2 =	sld [smem:$0x3FD0];
	(tm) =	ssettm $0x1  }
0x91: {  	s18 =	sld [smem:$0x3FFB];
	_ =	sdelay $0x3  }
0x92: {  	_ =	strace s18  }
0x93: {  	s3 =	sld [smem:$0x3FFC];
	_ =	sdelay $0x3  }
0x94: {  	_ =	strace s3  }
0x95: {  	s3 =	sld [smem:$0x3FFD];
	_ =	sdelay $0x3  }
0x96: {  	_ =	strace s3  }
0x97: {  	_ =	strace $0x8FFFFFFF  }
0x98: {  	s19 =	sld [smem:$0x3FDB];
	_ =	sdelay $0x1  }
0x99: {  	s4 =	simm.s32 $_scs_section_size  }
0x9a: {  	s5 =	simm.s32 $_size__tile_overlayer_lowered;
	s6 =	simm.s32 $_tile_overlayer_lowered  }
0x9b: {  	s22 =	simm.s32 $0x1BFF;
	s21 =	sshll.u32 s6, $0x1;
	s3 =	sadd.s32 s4, s19  }
0x9c: {  	s7 =	simm.s32 $0x0;
	s20 =	sshll.u32 s5, $0x1;
	s5 =	sadd.s32 s21, s3  }
0x9d: {  	[timem:s7], [sflag:s22] =	dma.local [hbm:s5], s20  }
0x9e: {  	_ =	swait.ge [sflag:s22], s20  }
0x9f: {  	s4 =	ssub.s32 $0x0, s20;
	[sflag:s22] =	ssyncset.done $0x0  }
0xa0: {  	[sflag:s22] =	ssyncadd.s32 s4;
	_ =	sdelay $0x1  }
0xa1: {  	s23 =	simm.s32 $0x1B8B  }
0xa2: {  	_ =	swait.ge [sflag:s23], $0x1  }
0xa3: {  	[sflag:s23] =	ssyncset.done $0x0  }
0xa4: {  	s25 =	simm.s32 $0x1B8E;
	s24 =	sld [smem:$0x3FFE];
	[sflag:s23] =	ssyncadd.s32 $0xFFFFFFFF  }
0xa5: {  	s26 =	simm.s32 $execute0_lowered;
	[smem:$0x3FD2] =	sst s25  }
0xa6: {  	s5 =	sshll.u32 s26, $0x1;
	_ =	strace $0x80000046;
	[dreg:$0x1] =	wrdreg $0xFFFFFFFF  }
0xa7: {  	s28 =	simm.s32 $_size_execute0_lowered;
	s3 =	sadd.s32 s3, s5;
	[dreg:$0x0] =	wrdreg $0x0  }
0xa8: {  	s5 =	sshll.u32 s28, $0x1;
	[dreg:$0x2] =	wrdreg s3  }
0xa9: {  	[dreg:$0x3] =	wrdreg s5  }
0xaa: {  	[dreg:$0x4] =	wrdreg $0xC0  }
0xab: {  	_ =	task [dreg:s7], $0x5FFFF  }
0xac: {  	[dreg:$0x1] =	wrdreg $0xFFFFFFFF  }
0xad: {  	[dreg:$0x0] =	wrdreg $0x60  }
0xae: {  	[dreg:$0x2] =	wrdreg s24  }
0xaf: {  	[dreg:$0x3] =	wrdreg s2  }
0xb0: {  	[dreg:$0x4] =	wrdreg $0x9  }
0xb1: {  	_ =	task.clear_ibuf [dreg:s7], $0x5FFFF;
	_ =	strace $0x90000046  }
0xb2: {  	s29 =	simm.s32 $0x9;
	_ =	strace $0x80000048  }
0xb3: {  	_ =	swait.ge [sflag:s29], $0x1  }
0xb4: {  	[sflag:s29] =	ssyncadd.s32 $0xFFFFFFFF  }
0xb5: {  	_ =	strace $0x90000048  }
0xb6: {  	_ =	sfence  }
0xb7: {  	s30 =	sld [smem:$0x0];
	_ =	sdelay $0x2  }
0xb8: {  	s31 =	sshll.u32 s1, $0xD;
	s1 =	sshrl.u32 s1, $0x2  }
0xb9: {  	s3 =	sand.u32 $0x4000, s31;
	s1 =	sadd.s32 s1, s30  }
0xba: {  	s0 =	sor.u32 s3, s0;
	s1 =	sshll.u32 s1, $0x11  }
0xbb: {  	s0 =	sor.u32 s1, s0  }
0xbc: {  	s0 =	sadd.s32 $0x8F2B, s0  }
0xbd: {  	[sflag:s0] =	ssyncadd.remote.s32 $0x1  }
0xbe: {  	_ =	sfence.sel $0xFFFF  }
0xbf: {  	[dreg:$0x0] =	wrdreg $0xFFFFFFFF;
	(pc) =	sbr.abs _section_cstart, $3  }
0xc0: {  	[dreg:$0x1] =	wrdreg $0xFFFFFFFF  }
0xc1: {  	_ =	task.clear_ibuf [dreg:s7], $0x2FFFF;
	_ =	strace $0x9FFFFFFF  }
0xc2: {  	(tm) =	ssettm $0x7FFFFFFF  }
0xc3: {  	_ =	shalt  }
tec
execute0_lowered:
.L_overlay_start_1:
0x0: {  	(tag) =	ssettag $0x1  }
0x1: {  	s0 =	srdreg.scid;
	s3 =	rddreg [dreg:$0x0]  }
0x2: {  	s5 =	rddreg [dreg:$0x1];
	s1 =	stileid.u32;
	s4 =	sand.u32 $0x1, s0  }
0x3: {  	s9 =	simm.s32 $0x400;
	s0 =	rddreg [dreg:$0x2];
	s2 =	sshll.u32 s4, $0x4  }
0x4: {  	s8 =	sshll.u32 s1, $0x7;
	s4 =	ssub.s32 $0x2, s4;
	s6 =	sor.u32 s1, s2  }
0x5: {  	s2 =	simm.s32 $0x0;
	s7 =	smul.u32 $0x4E2, s6;
	s6 =	sshrl.u32 s6, $0x3  }
0x6: {  	s8 =	sand.u32 $0x380, s8;
	[smem:$0x7FF] =	sst s2;
	s6 =	smul.u32 $0x13C00, s6  }
0x7: {  	s30 =	sshrl.u32 s4, $0x1;
	_ =	strace $0x80000047;
	s3 =	sadd.s32 s7, s3  }
0x8: {  	s7 =	ssub.s32 s4, s30;
	s6 =	sor.u32 s8, s6;
	s3 =	sadd.s32 $0x1A00, s3  }
0x9: {  	s8 =	simm.s32 $0x80;
	s31 =	sshrl.u32 s6, $0x3;
	s6 =	simm.s32 $0x1  }
0xa: {  	v0 =	vimm.f32 $0.0e+00;
	v1 =	vimm.f32 $1.000000000e+00;
	s4 =	sadd.s32 s5, s31;
	s5 =	smax.u32 s7, $0x1;
	s7 =	simm.s32 $0x2780  }
.LBB2_1:
0xb: {  	s10 =	simm.s32 $0x40;
	s11 =	simm.s32 $0x0  }
.LBB2_2:
0xc: {  	p0 =	sne.s32 s10, $0x9C00;
	[tilespmem:s11+$0x2780] =	vst v0;
	s11 =	smov.u32 s10;
	s10 =	sadd.s32 $0x40, s10  }
.Ltmp0:
0xd: {  	(pc) =	sbr.rel @p0 .LBB2_2-.Ltmp0, $2  }
0xe: {  	_ =	sdelay $0x2  }
0xf: {  	s11 =	sshra.s32 s11, $0x2  }
0x10: {  	[tilespmem:s11+$0x2780] =	vst v0;
	s10 =	simm.s32 $0x0  }
0x11: {  	[tilespmem:s10], [sflag:$0x1] =	stream.linear.gather [hbm4b:s3+s10], $0x2710, $0x38;
	[tilespmem:$0x4F00] =	vst v63  }
0x12: {  	_ =	swait.ge [sflag:s6], $0x2710  }
0x13: {  	[sflag:s6] =	ssyncset.done $0x0  }
0x14: {  	s11 =	simm.s32 $0x0;
	s10 =	simm.s32 $0x40;
	[sflag:s6] =	ssyncadd.s32 $0xFFFFD8F0  }
.LBB2_4:
0x15: {  	p0 =	sne.s32 s10, $0x9C00;
	v2 =	vld [tilespmem:s11+$0x0];
	_ =	sdelay $0x3  }
.Ltmp1:
0x16: {  	(pc) =	sbr.rel @p0 .LBB2_4-.Ltmp1, $2  }
0x17: {  	_ =	sdelay $0x2  }
0x18: {  	s11 =	sshra.s32 s10, $0x2;
	s10 =	sadd.s32 $0x40, s10;
	[tilespmem:v2+s7+$0x0] =	vst.idx.add.f32.msk $0xffff, v1  }
0x19: {  	v2 =	vld [tilespmem:s11+$0x0];
	_ =	sdelay $0x5  }
0x1a: {  	s2 =	sadd.s32 $0x1, s2  }
0x1b: {  	p0 =	sne.s32 s2, s5  }
.Ltmp2:
0x1c: {  	[tilespmem:v2+s7+$0x0] =	vst.idx.add.f32.msk $0xffff, v1;
	(pc) =	sbr.rel @p0 .LBB2_1-.Ltmp2, $4  }
0x1d: {  	[hbm4b:s4+s8] =	stream.strided.scatter [tilespmem:s7], [sflag:$0x1], $0x2780, s9, s8, $0x38;
	[tilespmem:$0x4F00] =	vst v63  }
0x1e: {  	_ =	swait.ge [sflag:s6], $0x2780  }
0x1f: {  	[sflag:s6] =	ssyncset.done $0x0  }
0x20: {  	[sflag:s6] =	ssyncadd.s32 $0xFFFFD880  }
0x21: {  	_ =	sfence.sel $0x180000  }
0x22: {  	[bflag:$0x0] =	sbarrier.arrive $0xFFFF  }
0x23: {  	p0 =	sne.s32 s1, $0x0;
	_ =	strace $0x90000047  }
0x24: {  	s0 =	sadd.s32 @!p0 $0x100000, s0;
	[bflag:$0x2] =	sbarrier.arrive $0xFFFF  }
0x25: {  	[sflag:s0] =	ssyncadd.tile.s32 @!p0 $0x1;
	_ =	shalt  }
.Lfunc_end2:
_tile_overlayer_lowered:
.L_overlay_start_2:
0x26: {  	(tag) =	ssettag $0x2  }
0x27: {  	s0 =	rddreg [dreg:$0x0];
	s2 =	stileid.u32  }
0x28: {  	s1 =	rddreg [dreg:$0x1];
	p0 =	sne.s32 s2, $0x0  }
0x29: {  	s3 =	rddreg [dreg:$0x2];
	[bflag:$0x3] =	sbarrier.arrive $0xFFFF;
	s2 =	simm.s32 @!p0 $0x1C01  }
0x2a: {  	[timem:s3], [sflag:s2] =	dma.local @!p0 [hbm:s0], s1  }
0x2b: {  	s0 =	simm.s32 @!p0 $0x1  }
0x2c: {  	_ =	swait.ge @!p0 [sflag:s0], s1  }
0x2d: {  	s1 =	ssub.s32 @!p0 $0x0, s1;
	[sflag:s0] =	ssyncset.done @!p0 $0x0  }
0x2e: {  	[sflag:s0] =	ssyncadd.s32 @!p0 s1  }
0x2f: {  	[bflag:$0x3] =	sbarrier.arrive $0xFFFF  }
0x30: {  	_ =	shalt  }

// kernel: kernel.9.cloned.1.call-start
scs
__scs_entry_jumppad:
0x0: {  	(pc) =	sbr.rel $0x88, $3  }
0x1: {  	(tag) =	ssettag $0x0;
	lr =	simm.s32 $0x1  }
0x2: {  	[smem:$0x3F9B] =	sst lr;
	_ =	strace $0xD0000000  }
0x3: {  	_ = 	snop  }
0x4: {  	_ = 	snop  }
0x5: {  	_ = 	snop  }
0x6: {  	_ = 	snop  }
0x7: {  	_ = 	snop  }
__scs_overlays_trampoline_lowered:
0x8: {  	[smem:$0x3FAA] =	sst s0  }
0x9: {  	[smem:$0x3FAB] =	sst s1  }
0xa: {  	[smem:$0x3FAC] =	sst s2  }
0xb: {  	[smem:$0x3FAD] =	sst s3  }
0xc: {  	[smem:$0x3FAE] =	sst s4  }
0xd: {  	[smem:$0x3FAF] =	sst s5  }
0xe: {  	[smem:$0x3FB0] =	sst s6  }
0xf: {  	[smem:$0x3FB1] =	sst s7  }
0x10: {  	[smem:$0x3FB2] =	sst s8  }
0x11: {  	[smem:$0x3FB3] =	sst s9;
	s0 =	simm.s32 @!p0 $0x0  }
0x12: {  	s1 =	sld [smem:$0x3F99];
	s0 =	simm.s32 @p0 $0x1  }
0x13: {  	[smem:$0x3FB4] =	sst s0;
	s0 =	simm.s32 @!p1 $0x0  }
0x14: {  	s2 =	sld [smem:$0x3F98];
	s0 =	simm.s32 @p1 $0x1  }
0x15: {  	[smem:$0x3FB5] =	sst s0;
	s0 =	simm.s32 @!p2 $0x0  }
0x16: {  	s3 =	sld [smem:$0x3FDB];
	s0 =	simm.s32 @p2 $0x1  }
0x17: {  	s4 =	simm.s32 $0x1BF5;
	[smem:$0x3FB7] =	sst s0  }
0x18: {  	s0 =	sld [smem:$0x3F9A];
	_ =	swait.ge [sflag:s4], $0x0  }
0x19: {  	s7 =	sld [smem:$0x3F9B]  }
0x1a: {  	s8 =	sadd.s32 $0xFFFFE003, lr  }
0x1b: {  	s9 =	sadd.s32 $0xFFFFFEF7, lr;
	s5 =	simm.s32 $0xFFFFFFFF;
	p2 =	slt.u32 s8, $0xFFFFF086  }
0x1c: {  	p1 =	slt.u32 s9, $0xF7A;
	s5 =	simm.s32 @!p2 $0x0  }
0x1d: {  	s5 =	simm.s32 @p1 $0x1;
	p0 =	seq.s32 s7, s2  }
0x1e: {  	s7 =	smul.u32 @!p0 $0xF7A, s2;
	p2 =	seq.s32 @!p0 s5, $0x0  }
0x1f: {  	s9 =	smul.u32 $0xF7A, s1;
	s8 =	simm.s32 @!p0 $0x1BF5;
	p2 =	por !p2, p0  }
0x20: {  	[sflag:s8] =	ssyncset.s32 @!p0 $0xFFFFF086;
	s6 =	sadd.s32 @!p0 s3, s7;
	s7 =	simm.s32 @!p0 $0x108  }
0x21: {  	s3 =	sadd.s32 s3, s9;
	s6 =	sadd.s32 @!p0 $0x88, s6;
	s7 =	simm.s32 @p2 $0x1082  }
0x22: {  	[simem:s7], [sflag:s8] =	dma.local @!p0 [hbm:s6], $0xF7A  }
0x23: {  	s9 =	sor.u32 $0xD0000000, s2;
	s6 =	simm.s32 $0x108;
	_ =	swait.ge @!p0 [sflag:s8], $0x0  }
0x24: {  	s3 =	sadd.s32 $0x88, s3;
	s6 =	simm.s32 @!p1 $0x1082;
	[sflag:s4] =	ssyncset.s32 $0xFFFFF086  }
0x25: {  	[simem:s6], [sflag:s4] =	dma.local [hbm:s3], $0xF7A  }
0x26: {  	[smem:$0x3F9B] =	sst s1;
	(tag) =	ssettag s2;
	_ =	strace s9  }
0x27: {  	s1 =	sld [smem:$0x3FAB]  }
0x28: {  	s2 =	sld [smem:$0x3FAC]  }
0x29: {  	s4 =	sld [smem:$0x3FAE]  }
0x2a: {  	p0 =	seq.s32 s5, $0x0;
	s5 =	sld [smem:$0x3FAF]  }
0x2b: {  	s6 =	sld [smem:$0x3FB0]  }
0x2c: {  	s7 =	sld [smem:$0x3FB1]  }
0x2d: {  	s3 =	simm.s32 $0x108;
	s8 =	sld [smem:$0x3FB2]  }
0x2e: {  	s3 =	simm.s32 @!p0 $0x1082;
	s9 =	sld [smem:$0x3FB3]  }
0x2f: {  	lr =	sadd.s32 s0, s3;
	s0 =	sld [smem:$0x3FAA]  }
0x30: {  	s3 =	sld [smem:$0x3FAD]  }
0x31: {  	[smem:$0x3FB6] =	sst s10  }
0x32: {  	s10 =	sld [smem:$0x3FB4];
	_ =	sdelay $0x3  }
0x33: {  	p0 =	seq.s32 s10, $0x1;
	s10 =	sld [smem:$0x3FB6];
	_ =	sdelay $0x3  }
0x34: {  	[smem:$0x3FB6] =	sst s10  }
0x35: {  	s10 =	sld [smem:$0x3FB5];
	_ =	sdelay $0x3  }
0x36: {  	p1 =	seq.s32 s10, $0x1;
	s10 =	sld [smem:$0x3FB6];
	_ =	sdelay $0x3  }
0x37: {  	[smem:$0x3FB6] =	sst s10  }
0x38: {  	s10 =	sld [smem:$0x3FB7]  }
0x39: {  	_ = 	snop;
	(pc) =	sbr.ind lr, $3  }
0x3a: {  	_ = 	snop  }
0x3b: {  	_ = 	snop  }
0x3c: {  	p2 =	seq.s32 s10, $0x1;
	s10 =	sld [smem:$0x3FB6]  }
0x3d: {  	_ =	shalt  }
0x3e: {  	_ =	shalt  }
0x3f: {  	_ =	shalt  }
0x40: {  	_ =	shalt  }
0x41: {  	_ =	shalt  }
0x42: {  	_ =	shalt  }
0x43: {  	_ =	shalt  }
0x44: {  	_ =	shalt  }
0x45: {  	_ =	shalt  }
0x46: {  	_ =	shalt  }
0x47: {  	_ =	shalt  }
0x48: {  	_ =	shalt  }
0x49: {  	_ =	shalt  }
0x4a: {  	_ =	shalt  }
0x4b: {  	_ =	shalt  }
0x4c: {  	_ =	shalt  }
0x4d: {  	_ =	shalt  }
0x4e: {  	_ =	shalt  }
0x4f: {  	_ =	shalt  }
0x50: {  	_ =	shalt  }
0x51: {  	_ =	shalt  }
0x52: {  	_ =	shalt  }
0x53: {  	_ =	shalt  }
0x54: {  	_ =	shalt  }
0x55: {  	_ =	shalt  }
0x56: {  	_ =	shalt  }
0x57: {  	_ =	shalt  }
0x58: {  	_ =	shalt  }
0x59: {  	_ =	shalt  }
0x5a: {  	_ =	shalt  }
0x5b: {  	_ =	shalt  }
0x5c: {  	_ =	shalt  }
0x5d: {  	_ =	shalt  }
0x5e: {  	_ =	shalt  }
0x5f: {  	_ =	shalt  }
0x60: {  	_ =	shalt  }
0x61: {  	_ =	shalt  }
0x62: {  	_ =	shalt  }
0x63: {  	_ =	shalt  }
0x64: {  	_ =	shalt  }
0x65: {  	_ =	shalt  }
0x66: {  	_ =	shalt  }
0x67: {  	_ =	shalt  }
0x68: {  	_ =	shalt  }
0x69: {  	_ =	shalt  }
0x6a: {  	_ =	shalt  }
0x6b: {  	_ =	shalt  }
0x6c: {  	_ =	shalt  }
0x6d: {  	_ =	shalt  }
0x6e: {  	_ =	shalt  }
0x6f: {  	_ =	shalt  }
0x70: {  	_ =	shalt  }
0x71: {  	_ =	shalt  }
0x72: {  	_ =	shalt  }
0x73: {  	_ =	shalt  }
0x74: {  	_ =	shalt  }
0x75: {  	_ =	shalt  }
0x76: {  	_ =	shalt  }
0x77: {  	_ =	shalt  }
0x78: {  	_ =	shalt  }
0x79: {  	_ =	shalt  }
0x7a: {  	_ =	shalt  }
0x7b: {  	_ =	shalt  }
0x7c: {  	_ =	shalt  }
0x7d: {  	_ =	shalt  }
0x7e: {  	_ =	shalt  }
0x7f: {  	_ =	shalt  }
0x80: {  	_ =	shalt  }
0x81: {  	_ =	shalt  }
0x82: {  	_ =	shalt  }
0x83: {  	_ =	shalt  }
0x84: {  	_ =	shalt  }
0x85: {  	_ =	shalt  }
0x86: {  	_ =	shalt  }
0x87: {  	_ =	shalt  }
.Lfunc_end0:
.L_simem_size_0:
called_computation.1_lowered:
.L_overlay_start_0:
0x88: {  	s2 =	sld [smem:$0x3FD9]  }
0x89: {  	s3 =	sld [smem:$0x3FFE];
	_ =	sdelay $0x1  }
0x8a: {  	s1 =	srdreg.scid  }
0x8b: {  	s0 =	sand.u32 $0x1, s1  }
0x8c: {  	s17 =	sshll.u32 s0, $0xA;
	s2 =	sadd.s32 s3, s2  }
0x8d: {  	s2 =	sadd.s32 s2, s17  }
0x8e: {  	[smem:$0x3FC2] =	sst s2  }
0x8f: {  	_ = 	snop  }
0x90: {  	s2 =	sld [smem:$0x3FD0];
	(tm) =	ssettm $0x1  }
0x91: {  	s18 =	sld [smem:$0x3FFB];
	_ =	sdelay $0x3  }
0x92: {  	_ =	strace s18  }
0x93: {  	s3 =	sld [smem:$0x3FFC];
	_ =	sdelay $0x3  }
0x94: {  	_ =	strace s3  }
0x95: {  	s3 =	sld [smem:$0x3FFD];
	_ =	sdelay $0x3  }
0x96: {  	_ =	strace s3  }
0x97: {  	_ =	strace $0x8FFFFFFF  }
0x98: {  	s19 =	sld [smem:$0x3FDB];
	_ =	sdelay $0x1  }
0x99: {  	s4 =	simm.s32 $_scs_section_size  }
0x9a: {  	s5 =	simm.s32 $_size__tile_overlayer_lowered;
	s6 =	simm.s32 $_tile_overlayer_lowered  }
0x9b: {  	s22 =	simm.s32 $0x1BFF;
	s21 =	sshll.u32 s6, $0x1;
	s3 =	sadd.s32 s4, s19  }
0x9c: {  	s7 =	simm.s32 $0x0;
	s20 =	sshll.u32 s5, $0x1;
	s5 =	sadd.s32 s21, s3  }
0x9d: {  	[timem:s7], [sflag:s22] =	dma.local [hbm:s5], s20  }
0x9e: {  	_ =	swait.ge [sflag:s22], s20  }
0x9f: {  	s4 =	ssub.s32 $0x0, s20;
	[sflag:s22] =	ssyncset.done $0x0  }
0xa0: {  	[sflag:s22] =	ssyncadd.s32 s4;
	_ =	sdelay $0x1  }
0xa1: {  	s23 =	simm.s32 $0x1B8B  }
0xa2: {  	_ =	swait.ge [sflag:s23], $0x1  }
0xa3: {  	[sflag:s23] =	ssyncset.done $0x0  }
0xa4: {  	s25 =	simm.s32 $0x1B8E;
	s24 =	sld [smem:$0x3FFE];
	[sflag:s23] =	ssyncadd.s32 $0xFFFFFFFF  }
0xa5: {  	s26 =	simm.s32 $execute0_lowered;
	[smem:$0x3FD2] =	sst s25  }
0xa6: {  	s5 =	sshll.u32 s26, $0x1;
	_ =	strace $0x80000049;
	[dreg:$0x1] =	wrdreg $0xFFFFFFFF  }
0xa7: {  	s28 =	simm.s32 $_size_execute0_lowered;
	s3 =	sadd.s32 s3, s5;
	[dreg:$0x0] =	wrdreg $0x0  }
0xa8: {  	s5 =	sshll.u32 s28, $0x1;
	[dreg:$0x2] =	wrdreg s3  }
0xa9: {  	[dreg:$0x3] =	wrdreg s5  }
0xaa: {  	[dreg:$0x4] =	wrdreg $0xC0  }
0xab: {  	_ =	task [dreg:s7], $0x5FFFF  }
0xac: {  	[dreg:$0x1] =	wrdreg $0xFFFFFFFF  }
0xad: {  	[dreg:$0x0] =	wrdreg $0x60  }
0xae: {  	[dreg:$0x2] =	wrdreg s2  }
0xaf: {  	[dreg:$0x3] =	wrdreg s24  }
0xb0: {  	[dreg:$0x4] =	wrdreg $0x0  }
0xb1: {  	[dreg:$0x5] =	wrdreg $0x9  }
0xb2: {  	_ =	task.clear_ibuf [dreg:s7], $0x6FFFF;
	_ =	strace $0x90000049  }
0xb3: {  	s29 =	simm.s32 $0x9;
	_ =	strace $0x8000004B  }
0xb4: {  	_ =	swait.ge [sflag:s29], $0x1  }
0xb5: {  	[sflag:s29] =	ssyncadd.s32 $0xFFFFFFFF  }
0xb6: {  	_ =	strace $0x9000004B  }
0xb7: {  	_ =	sfence  }
0xb8: {  	s30 =	sld [smem:$0x0];
	_ =	sdelay $0x2  }
0xb9: {  	s31 =	sshll.u32 s1, $0xD;
	s1 =	sshrl.u32 s1, $0x2  }
0xba: {  	s3 =	sand.u32 $0x4000, s31;
	s1 =	sadd.s32 s1, s30  }
0xbb: {  	s0 =	sor.u32 s3, s0;
	s1 =	sshll.u32 s1, $0x11  }
0xbc: {  	s0 =	sor.u32 s1, s0  }
0xbd: {  	s0 =	sadd.s32 $0x8F2B, s0  }
0xbe: {  	[sflag:s0] =	ssyncadd.remote.s32 $0x1  }
0xbf: {  	_ =	sfence.sel $0xFFFF  }
0xc0: {  	[dreg:$0x0] =	wrdreg $0xFFFFFFFF;
	(pc) =	sbr.abs _section_cstart, $3  }
0xc1: {  	[dreg:$0x1] =	wrdreg $0xFFFFFFFF  }
0xc2: {  	_ =	task.clear_ibuf [dreg:s7], $0x2FFFF;
	_ =	strace $0x9FFFFFFF  }
0xc3: {  	(tm) =	ssettm $0x7FFFFFFF  }
tec
execute0_lowered:
.L_overlay_start_1:
0x0: {  	(tag) =	ssettag $0x1  }
0x1: {  	s1 =	rddreg [dreg:$0x0]  }
0x2: {  	s0 =	srdreg.scid;
	s8 =	rddreg [dreg:$0x1]  }
0x3: {  	s22 =	stileid.u32;
	s3 =	rddreg [dreg:$0x2];
	s4 =	simm.s32 $0x0  }
0x4: {  	s19 =	simm.s32 $0x80;
	s20 =	simm.s32 $0x17400;
	s21 =	simm.s32 $0x1B400  }
0x5: {  	s7 =	sand.u32 $0x1, s0;
	[smem:$0x7FF] =	sst s4;
	s9 =	smul.u32 $0x13800, s22  }
0x6: {  	s13 =	smul.u32 $0x4E000, s22;
	s14 =	sadd.s32 $0x46800, s8;
	s18 =	sadd.s32 $0x138000, s3  }
0x7: {  	p0 =	sne.s32 s22, $0xF;
	s16 =	sshll.u32 s22, $0x6;
	s2 =	sshll.u32 s7, $0x4  }
0x8: {  	_ =	strace $0x8000004A;
	s11 =	ssub.s32 $0x2, s7;
	s26 =	smul.u32 $0x138800, s7  }
0x9: {  	s16 =	sor.u32 $0x1C03, s16;
	s18 =	sshrl.u32 @!p0 s18, $0x3;
	s5 =	sor.u32 s22, s2  }
0xa: {  	s23 =	sshrl.u32 s9, $0x3;
	s24 =	sshrl.u32 s11, $0x1;
	s25 =	sshrl.u32 s13, $0x2  }
0xb: {  	s13 =	simm.s32 $0x13880;
	s22 =	simm.s32 $0x1;
	s6 =	smul.u32 $0x4F0, s5  }
0xc: {  	s5 =	smul.u32 $0x2800, s5;
	s12 =	sadd.s32 s23, s8;
	s15 =	ssub.s32 s11, s24  }
0xd: {  	s17 =	sadd.s32 s25, s3;
	s28 =	sadd.s32 s9, s26;
	s29 =	sshrl.u32 s26, $0x3  }
0xe: {  	s23 =	simm.s32 $0x2;
	s24 =	simm.s32 $0x17300;
	s25 =	simm.s32 $0x0  }
0xf: {  	s7 =	sadd.s32 $0x1F600, s12;
	s30 =	sshrl.u32 s28, $0x3;
	s31 =	sadd.s32 s14, s29  }
0x10: {  	s12 =	smax.u32 s15, $0x1;
	s17 =	sshrl.u32 s17, $0x3;
	s5 =	sshrl.u32 s5, $0x3  }
0x11: {  	s6 =	sadd.s32 s6, s8;
	s11 =	sadd.s32 $0x27000, s31;
	s10 =	sadd.s32 s5, s8  }
0x12: {  	s5 =	sadd.s32 $0x15800, s6;
	s8 =	sadd.s32 $0x46600, s8;
	s6 =	sadd.s32 $0xB800, s10  }
0x13: {  	s9 =	sadd.s32 $0xBA80, s10;
	s10 =	sadd.s32 s14, s30;
	s14 =	simm.s32 $0x3  }
.LBB2_1:
0x14: {  	[tilespmem:s13], [sflag:$0x3] =	stream.linear.gather [hbm4b:s5+s4], $0x2780, $0x38;
	[tilespmem:$0x1F400] =	vst v63  }
0x15: {  	_ =	swait.ge [sflag:s14], $0x2780  }
0x16: {  	[sflag:s14] =	ssyncset.done $0x0  }
0x17: {  	s0 =	simm.s32 $0x16000;
	[sflag:s14] =	ssyncadd.s32 $0xFFFFD880  }
0x18: {  	[tilespmem:s0], [sflag:$0x3] =	stream.linear.gather [hbm4b:s6+s4], $0x1400, $0x38;
	[tilespmem:$0x1F400] =	vst v63  }
0x19: {  	_ =	swait.ge [sflag:s14], $0x1400  }
0x1a: {  	[sflag:s14] =	ssyncset.done $0x0  }
0x1b: {  	[sflag:s14] =	ssyncadd.s32 $0xFFFFEC00  }
0x1c: {  	[spmem:s17], [sflag:s16] =	dma.local [hbm:s7], $0x2700  }
0x1d: {  	_ =	swait.ge [sflag:s14], $0x2700  }
0x1e: {  	[sflag:s14] =	ssyncset.done $0x0  }
0x1f: {  	s26 =	simm.s32 @!p0 $0x3;
	[sflag:s14] =	ssyncadd.s32 $0xFFFFD900  }
0x20: {  	[spmem:s18], [sflag:s16] =	dma.local @!p0 [hbm:s8], $0x100  }
0x21: {  	_ =	swait.ge @!p0 [sflag:s26], $0x100  }
0x22: {  	[sflag:s26] =	ssyncset.done @!p0 $0x0  }
0x23: {  	[sflag:s26] =	ssyncadd.s32 @!p0 $0xFFFFFF00  }
0x24: {  	[bflag:$0x0] =	sbarrier.arrive $0xFFFF  }
0x25: {  	[tilespmem:s20], [sflag:$0x1] =	stream.indirect.gather [hbm4b:s1+s19], $0x80, s13, s19, $0xb8;
	[tilespmem:$0x1F400] =	vst v63  }
0x26: {  	s15 =	simm.s32 $0x13900;
	p1 =	por $0x1, $0x1  }
0x27: {  	[tilespmem:s21], [sflag:$0x2] =	stream.indirect.gather [hbm4b:s1+s19], $0x80, s15, s19, $0xb8;
	[tilespmem:$0x1F400] =	vst v63  }
0x28: {  	s28 =	simm.s32 @!p1 $0x16000;
	s29 =	simm.s32 @!p1 $0x3;
	s26 =	simm.s32 @!p1 $0x0  }
0x29: {  	[tilespmem:s28], [sflag:$0x3] =	stream.linear.gather @!p1 [hbm4b:s9+s26], $0x1380, $0x38;
	[tilespmem:$0x1F400] =	vst v63  }
0x2a: {  	_ =	swait.ge @!p1 [sflag:s29], $0x1380  }
0x2b: {  	[sflag:s29] =	ssyncset.done @!p1 $0x0  }
0x2c: {  	[sflag:s29] =	ssyncadd.s32 @!p1 $0xFFFFEC80  }
0x2d: {  	s26 =	simm.s32 $0xFFFFEC00;
	p1 =	por $0x1, $0x1;
	_ =	swait.ge [sflag:s22], $0x4000  }
0x2e: {  	s26 =	smov.u32 @p1 s4;
	[sflag:s22] =	ssyncset.done $0x0  }
0x2f: {  	s26 =	sadd.s32 $0x16000, s26;
	[sflag:s22] =	ssyncadd.s32 $0xFFFFC000  }
0x30: {  	[spmem:s3] =	stream.indirect.scatter.add.f32 [tilespmem:s20], [sflag:$0x3], $0x80, s26, s19, $0xb8;
	[tilespmem:$0x1F400] =	vst v63  }
0x31: {  	_ =	swait.ge [sflag:s14], $0x4000  }
0x32: {  	s28 =	simm.s32 $0x1;
	s26 =	simm.s32 $0x7FFFD9;
	[sflag:s14] =	ssyncset.done $0x0  }
0x33: {  	s29 =	simm.s32 $0x13980;
	s26 =	smov.u32 @p1 s28;
	[sflag:s14] =	ssyncadd.s32 $0xFFFFC000  }
0x34: {  	[tilespmem:s20], [sflag:$0x1] =	stream.indirect.gather [hbm4b:s1+s19], $0x80, s29, s19, $0xb8;
	[tilespmem:$0x1F400] =	vst v63  }
0x35: {  	s26 =	sshll.u32 s26, $0x9;
	_ =	swait.ge [sflag:s23], $0x4000  }
0x36: {  	s26 =	sshra.s32 s26, $0x2;
	[sflag:s23] =	ssyncset.done $0x0  }
0x37: {  	s30 =	simm.s32 $0x100;
	s26 =	sadd.s32 $0x16000, s26;
	[sflag:s23] =	ssyncadd.s32 $0xFFFFC000  }
0x38: {  	[spmem:s3] =	stream.indirect.scatter.add.f32 [tilespmem:s21], [sflag:$0x3], $0x80, s26, s19, $0xb8;
	[tilespmem:$0x1F400] =	vst v63  }
0x39: {  	s31 =	simm.s32 $0x200;
	s28 =	simm.s32 $0x13A80;
	_ =	swait.ge [sflag:s14], $0x4000  }
0x3a: {  	s29 =	simm.s32 $0x1;
	s26 =	simm.s32 $0x7FFFDB;
	[sflag:s14] =	ssyncset.done $0x0  }
.LBB2_2:
0x3b: {  	s2 =	sadd.s32 $0xFFFFFF80, s28;
	p2 =	sne.s32 s30, $0x1400;
	[sflag:s14] =	ssyncadd.s32 $0xFFFFC000  }
0x3c: {  	[tilespmem:s21], [sflag:$0x2] =	stream.indirect.gather [hbm4b:s1+s19], $0x80, s2, s19, $0xb8;
	[tilespmem:$0x1F400] =	vst v63  }
0x3d: {  	s2 =	simm.s32 @!p2 $0x0;
	s0 =	simm.s32 @!p2 $0x16000;
	s15 =	simm.s32 @!p2 $0x3  }
0x3e: {  	[tilespmem:s0], [sflag:$0x3] =	stream.linear.gather @!p2 [hbm4b:s9+s2], $0x1380, $0x38;
	[tilespmem:$0x1F400] =	vst v63  }
0x3f: {  	s0 =	smov.u32 s31;
	s31 =	sadd.s32 $0x100, s31;
	_ =	swait.ge @!p2 [sflag:s15], $0x1380  }
0x40: {  	s2 =	sadd.s32 $0xFF800028, s26;
	p1 =	sne.s32 s31, $0x2700;
	[sflag:s15] =	ssyncset.done @!p2 $0x0  }
0x41: {  	[sflag:s15] =	ssyncadd.s32 @!p2 $0xFFFFEC80;
	p2 =	slt.u32 s29, $0x14;
	s15 =	sadd.s32 $0xFFFFEC00, s30  }
0x42: {  	_ =	swait.ge [sflag:s22], $0x4000;
	s15 =	smov.u32 @p2 s30;
	s30 =	smov.u32 s26  }
0x43: {  	[sflag:s22] =	ssyncset.done $0x0;
	s30 =	smov.u32 @p2 s2  }
0x44: {  	s2 =	sadd.s32 $0x16000, s15;
	[sflag:s22] =	ssyncadd.s32 $0xFFFFC000;
	s15 =	sshll.u32 s30, $0x9  }
0x45: {  	[spmem:s3] =	stream.indirect.scatter.add.f32 [tilespmem:s20], [sflag:$0x3], $0x80, s2, s19, $0xb8;
	[tilespmem:$0x1F400] =	vst v63  }
0x46: {  	s30 =	smov.u32 s0;
	s2 =	sshra.s32 s15, $0x2;
	_ =	swait.ge [sflag:s14], $0x4000  }
0x47: {  	[sflag:s14] =	ssyncset.done $0x0  }
0x48: {  	[sflag:s14] =	ssyncadd.s32 $0xFFFFC000  }
0x49: {  	[tilespmem:s20], [sflag:$0x1] =	stream.indirect.gather [hbm4b:s1+s19], $0x80, s28, s19, $0xb8;
	[tilespmem:$0x1F400] =	vst v63  }
0x4a: {  	_ =	swait.ge [sflag:s23], $0x4000  }
.Ltmp0:
0x4b: {  	[sflag:s23] =	ssyncset.done $0x0;
	(pc) =	sbr.rel @p1 .LBB2_2-.Ltmp0, $4  }
0x4c: {  	s0 =	sadd.s32 $0x16000, s2;
	[sflag:s23] =	ssyncadd.s32 $0xFFFFC000  }
0x4d: {  	[spmem:s3] =	stream.indirect.scatter.add.f32 [tilespmem:s21], [sflag:$0x3], $0x80, s0, s19, $0xb8;
	[tilespmem:$0x1F400] =	vst v63  }
0x4e: {  	s26 =	sadd.s32 $0x2, s26;
	_ =	swait.ge [sflag:s14], $0x4000  }
0x4f: {  	s29 =	sadd.s32 $0x1, s29;
	s28 =	sadd.s32 $0x100, s28;
	[sflag:s14] =	ssyncset.done $0x0  }
0x50: {  	s0 =	sadd.s32 $0xFFFFFF80, s28;
	p1 =	sne.s32 s30, $0x1400;
	[sflag:s14] =	ssyncadd.s32 $0xFFFFC000  }
0x51: {  	[tilespmem:s21], [sflag:$0x2] =	stream.indirect.gather [hbm4b:s1+s19], $0x80, s0, s19, $0xb8;
	[tilespmem:$0x1F400] =	vst v63  }
0x52: {  	s0 =	simm.s32 @!p1 $0x0;
	s2 =	simm.s32 @!p1 $0x16000;
	s15 =	simm.s32 @!p1 $0x3  }
0x53: {  	[tilespmem:s2], [sflag:$0x3] =	stream.linear.gather @!p1 [hbm4b:s9+s0], $0x1380, $0x38;
	[tilespmem:$0x1F400] =	vst v63  }
0x54: {  	_ =	swait.ge @!p1 [sflag:s15], $0x1380  }
0x55: {  	[sflag:s15] =	ssyncset.done @!p1 $0x0  }
0x56: {  	[sflag:s15] =	ssyncadd.s32 @!p1 $0xFFFFEC80  }
0x57: {  	s0 =	sadd.s32 $0xFFFFEC00, s30;
	p1 =	slt.u32 s29, $0x14;
	_ =	swait.ge [sflag:s22], $0x4000  }
0x58: {  	s0 =	smov.u32 @p1 s30;
	[sflag:s22] =	ssyncset.done $0x0  }
0x59: {  	s0 =	sadd.s32 $0x16000, s0;
	[sflag:s22] =	ssyncadd.s32 $0xFFFFC000  }
0x5a: {  	[spmem:s3] =	stream.indirect.scatter.add.f32 [tilespmem:s20], [sflag:$0x3], $0x80, s0, s19, $0xb8;
	[tilespmem:$0x1F400] =	vst v63  }
0x5b: {  	_ =	swait.ge [sflag:s14], $0x4000  }
0x5c: {  	s0 =	sadd.s32 $0xFF800028, s26;
	[sflag:s14] =	ssyncset.done $0x0  }
0x5d: {  	s26 =	smov.u32 @p1 s0;
	[sflag:s14] =	ssyncadd.s32 $0xFFFFC000  }
0x5e: {  	[tilespmem:s20], [sflag:$0x1] =	stream.indirect.gather [hbm4b:s1+s19], $0x80, s28, s19, $0xb8;
	[tilespmem:$0x1F400] =	vst v63  }
0x5f: {  	s0 =	sshll.u32 s26, $0x9;
	_ =	swait.ge [sflag:s23], $0x4000  }
0x60: {  	s0 =	sshra.s32 s0, $0x2;
	[sflag:s23] =	ssyncset.done $0x0  }
0x61: {  	s0 =	sadd.s32 $0x16000, s0;
	[sflag:s23] =	ssyncadd.s32 $0xFFFFC000  }
0x62: {  	[spmem:s3] =	stream.indirect.scatter.add.f32 [tilespmem:s21], [sflag:$0x3], $0x80, s0, s19, $0xb8;
	[tilespmem:$0x1F400] =	vst v63  }
0x63: {  	_ =	swait.ge [sflag:s14], $0x4000  }
0x64: {  	[sflag:s14] =	ssyncset.done $0x0  }
0x65: {  	[sflag:s14] =	ssyncadd.s32 $0xFFFFC000  }
0x66: {  	_ =	swait.ge [sflag:s22], $0x4000  }
0x67: {  	[sflag:s22] =	ssyncset.done $0x0  }
0x68: {  	[sflag:s22] =	ssyncadd.s32 $0xFFFFC000  }
0x69: {  	[spmem:s3] =	stream.indirect.scatter.add.f32 [tilespmem:s20], [sflag:$0x3], $0x80, s24, s19, $0xb8;
	[tilespmem:$0x1F400] =	vst v63  }
0x6a: {  	_ =	swait.ge [sflag:s14], $0x4000  }
0x6b: {  	[sflag:s14] =	ssyncset.done $0x0  }
0x6c: {  	[sflag:s14] =	ssyncadd.s32 $0xFFFFC000  }
0x6d: {  	[bflag:$0x0] =	sbarrier.arrive $0xFFFF  }
0x6e: {  	[hbm:s10], [sflag:s16] =	dma.local [spmem:s17], $0x2700  }
0x6f: {  	s25 =	sadd.s32 $0x1, s25;
	_ =	swait.ge [sflag:s14], $0x2700  }
0x70: {  	p1 =	sne.s32 s25, s12;
	[sflag:s14] =	ssyncset.done $0x0  }
.Ltmp1:
0x71: {  	s0 =	simm.s32 @!p0 $0x3;
	[sflag:s14] =	ssyncadd.s32 $0xFFFFD900;
	(pc) =	sbr.rel @p1 .LBB2_1-.Ltmp1, $4  }
0x72: {  	[hbm:s11], [sflag:s16] =	dma.local @!p0 [spmem:s18], $0x100  }
0x73: {  	_ =	swait.ge @!p0 [sflag:s0], $0x100  }
0x74: {  	[sflag:s0] =	ssyncset.done @!p0 $0x0  }
0x75: {  	[sflag:s0] =	ssyncadd.s32 @!p0 $0xFFFFFF00  }
0x76: {  	_ =	sfence.sel $0x180000  }
0x77: {  	[bflag:$0x0] =	sbarrier.arrive $0xFFFF  }
0x78: {  	_ =	strace $0x9000004A  }
0x79: {  	s0 =	stileid.u32;
	[bflag:$0x2] =	sbarrier.arrive $0xFFFF  }
0x7a: {  	p0 =	sne.s32 s0, $0x0;
	s0 =	rddreg [dreg:$0x3]  }
0x7b: {  	s0 =	sadd.s32 @!p0 $0x100000, s0  }
0x7c: {  	[sflag:s0] =	ssyncadd.tile.s32 @!p0 $0x1;
	_ =	shalt  }
.Lfunc_end2:
_tile_overlayer_lowered:
.L_overlay_start_2:
0x7d: {  	(tag) =	ssettag $0x2  }
0x7e: {  	s0 =	rddreg [dreg:$0x0];
	s2 =	stileid.u32  }
0x7f: {  	s1 =	rddreg [dreg:$0x1];
	p0 =	sne.s32 s2, $0x0  }
0x80: {  	s3 =	rddreg [dreg:$0x2];
	[bflag:$0x3] =	sbarrier.arrive $0xFFFF;
	s2 =	simm.s32 @!p0 $0x1C03  }
0x81: {  	[timem:s3], [sflag:s2] =	dma.local @!p0 [hbm:s0], s1  }
0x82: {  	s0 =	simm.s32 @!p0 $0x3  }
0x83: {  	_ =	swait.ge @!p0 [sflag:s0], s1  }
0x84: {  	s1 =	ssub.s32 @!p0 $0x0, s1;
	[sflag:s0] =	ssyncset.done @!p0 $0x0  }
0x85: {  	[sflag:s0] =	ssyncadd.s32 @!p0 s1  }
0x86: {  	[bflag:$0x3] =	sbarrier.arrive $0xFFFF  }
0x87: {  	_ =	shalt  }

</sc_bundles>
